<compile_context>
chip_gen: v7x
topology: tpu7x:2x2x1
jax: 0.10.2.dev20260603
libtpu: 0.0.44.dev20260713+nightly
codegen_flags: <defaults>
</compile_context>

<pallas_src>
import functools

import jax
import jax.numpy as jnp
from jax import lax
from jax.experimental import pallas as pl
from jax.experimental.pallas import tpu as pltpu
from jax.experimental.pallas import tpu_sc as plsc

N = 10000
NPAD = 10240
E = 320000
H = 32
F = 128
O = 4

NC = 2
NS = 16
NW = NC * NS
CHUNK = 128
CH = 80
SLAB = CH * CHUNK
CH_LAST = (E - (NW - 1) * SLAB) // CHUNK
RPT = NPAD // NS
RB = 2048
PH = NPAD // 4
PRT = RPT // 4
RBQ = RB // 4
O4 = 4 * O
NG = RPT * H // 16
NBUF = 8
DEEP = 3

_SC_PARAMS_NL = pltpu.CompilerParams(
    use_tc_tiling_on_sc=False, needs_layout_passes=False)


def _sc_mesh():
    return plsc.VectorSubcoreMesh(core_axis_name="c", subcore_axis_name="s")


def _zero_buffers(zr_v, ones_v, z1_v):
    def init16(i, _):
        ones_v[pl.ds(i * 16, 16)] = jnp.ones((16,), jnp.float32)
        z1_v[pl.ds(i * 16, 16)] = jnp.zeros((16,), jnp.float32)
        return 0

    lax.fori_loop(0, CHUNK // 16, init16, 0)

    def zrow(i, _):
        zr_v[i, pl.ds(0, 16)] = jnp.zeros((16,), jnp.float32)
        zr_v[i, pl.ds(16, 16)] = jnp.zeros((16,), jnp.float32)
        return 0

    lax.fori_loop(0, CHUNK, zrow, 0)


def _splat(dis_v, node):
    return plsc.load_gather(dis_v, (jnp.full((16,), node, jnp.int32),))


def _edge_pipeline(y_ref, src_v, dst_v, rows_v, acc_sh, sem_g, sem_s, nch):

    def rbuf(p):
        return rows_v.at[pl.ds(p * CHUNK, CHUNK)]

    for jj in range(NBUF - DEEP):
        pltpu.async_copy(y_ref.at[src_v.at[jj]], rbuf(jj), sem_g)

    def body(j, _):
        p = j % NBUF
        pltpu.make_async_copy(y_ref.at[src_v.at[j]], rbuf(p), sem_g).wait()
        pltpu.async_copy(rbuf(p), acc_sh.at[dst_v.at[j]], sem_s, add=True)

        @pl.when(j >= DEEP)
        def _():
            pltpu.make_async_copy(
                rbuf(p), acc_sh.at[dst_v.at[j]], sem_s).wait()

        @pl.when(j < nch - (NBUF - DEEP))
        def _():
            pltpu.async_copy(
                y_ref.at[src_v.at[j + NBUF - DEEP]],
                rbuf((j + NBUF - DEEP) % NBUF), sem_g)

        return 0

    lax.fori_loop(0, nch, body, 0)

    def sdrain(j, _):
        pltpu.make_async_copy(
            rbuf(0), acc_sh.at[dst_v.at[0]], sem_s).wait()
        return 0

    lax.fori_loop(0, DEEP, sdrain, 0)


def _load_slab(ei_hbm, row, base, n, idx_v, sem):

    def ld(j, _):
        pltpu.async_copy(
            ei_hbm.at[row, pl.ds(base + j * CHUNK, CHUNK)], idx_v.at[j], sem)
        return 0

    lax.fori_loop(0, n, ld, 0)


def _drain_slab(ei_hbm, idx_v, n, sem):
    def dr(j, _):
        pltpu.make_async_copy(
            ei_hbm.at[0, pl.ds(0, CHUNK)], idx_v.at[0], sem).wait()
        return 0

    lax.fori_loop(0, n, dr, 0)


def _sc_common_tail(c, s, wid, ei_hbm, sa_v, sb_v, rows_v, xw_v, gw,
                    st_v, dis_v, y_ref, acc_sh, p_out, sem_g, sem_s):
    def yscale(g, _):
        sp = _splat(dis_v, g // 2)
        yv = xw_v[g // gw, pl.ds((g % gw) * 16, 16)] * sp
        rows_v[g // 2, pl.ds((g % 2) * 16, 16)] = yv
        return 0

    lax.fori_loop(0, NG, yscale, 0)
    pltpu.sync_copy(rows_v.at[pl.ds(0, RPT)], y_ref.at[pl.ds(s * RPT, RPT)])

    @pl.when(c == 0)
    def _():
        def selfterm(g, _):
            sp = _splat(dis_v, g // 2)
            st_v[g // 8, pl.ds((g % 8) * 16, 16)] = (
                rows_v[g // 2, pl.ds((g % 2) * 16, 16)] * sp)
            return 0

        lax.fori_loop(0, NG, selfterm, 0)

    plsc.subcore_barrier()

    base = wid * SLAB
    nch = jnp.where(wid == NW - 1, CH_LAST, CH)
    _load_slab(ei_hbm, 0, base, nch, sa_v, sem_g)
    _load_slab(ei_hbm, 1, base, nch, sb_v, sem_g)
    _drain_slab(ei_hbm, sa_v, 2 * nch, sem_g)
    _edge_pipeline(y_ref, sa_v, sb_v, rows_v, acc_sh, sem_g, sem_s, nch)
    plsc.subcore_barrier()

    pltpu.sync_copy(acc_sh.at[pl.ds(s * RPT, RPT)], rows_v.at[pl.ds(0, RPT)])

    def scale0(g, _):
        sp = _splat(dis_v, g // 2)
        v = (rows_v[g // 2, pl.ds((g % 2) * 16, 16)] * sp
             + st_v[g // 8, pl.ds((g % 8) * 16, 16)])
        st_v[g // 8, pl.ds((g % 8) * 16, 16)] = v
        return 0

    def scale1(g, _):
        sp = _splat(dis_v, g // 2)
        st_v[g // 8, pl.ds((g % 8) * 16, 16)] = (
            rows_v[g // 2, pl.ds((g % 2) * 16, 16)] * sp)
        return 0

    @pl.when(c == 0)
    def _():
        lax.fori_loop(0, NG, scale0, 0)

    @pl.when(c != 0)
    def _():
        lax.fori_loop(0, NG, scale1, 0)

    pltpu.sync_copy(st_v, p_out.at[c, pl.ds(s * PRT, PRT)])



@jax.jit
def _sc_layer1(xw1, ei):
    @functools.partial(
        pl.kernel,
        mesh=_sc_mesh(),
        out_type=[
            jax.ShapeDtypeStruct((NC, PH, 4 * H), jnp.float32),
            jax.ShapeDtypeStruct((NPAD,), jnp.float32),
            jax.ShapeDtypeStruct((NC, NPAD, H), jnp.float32),
        ],
        scratch_types=[
            pltpu.VMEM((CH, CHUNK), jnp.int32),
            pltpu.VMEM((CH, CHUNK), jnp.int32),
            pltpu.VMEM((NBUF * CHUNK, H), jnp.float32),
            pltpu.VMEM((CHUNK, H), jnp.float32),
            pltpu.VMEM((CHUNK,), jnp.float32),
            pltpu.VMEM((CHUNK,), jnp.float32),
            pltpu.VMEM((RPT,), jnp.float32),
            pltpu.VMEM((RPT,), jnp.float32),
            pltpu.VMEM((RPT, H), jnp.float32),
            pltpu.VMEM((PRT, 4 * H), jnp.float32),
            pltpu.VMEM_SHARED((NPAD,), jnp.float32),
            pltpu.VMEM_SHARED((NPAD, H), jnp.float32),
            pltpu.SemaphoreType.DMA,
            pltpu.SemaphoreType.DMA,
            pltpu.SemaphoreType.DMA,
        ],
        compiler_params=_SC_PARAMS_NL,
    )
    def k(xw_hbm, ei_hbm, p_out, dis_out, y_out,
          sa_v, sb_v, rows_v, zr_v, ones_v, z1_v, deg_v, dis_v, xw_v, st_v,
          deg_sh, acc_sh, sem_g, sem_s, sem_x):
        c = lax.axis_index("c")
        s = lax.axis_index("s")
        wid = c * NS + s
        _zero_buffers(zr_v, ones_v, z1_v)

        def zacc(i, _):
            pltpu.async_copy(
                zr_v, acc_sh.at[pl.ds(s * RPT + i * CHUNK, CHUNK)], sem_s)
            pltpu.async_copy(
                z1_v, deg_sh.at[pl.ds(s * RPT + i * CHUNK, CHUNK)], sem_s)
            return 0

        lax.fori_loop(0, RPT // CHUNK, zacc, 0)
        nb = jnp.where(s == NS - 1, CH_LAST, CH)
        _load_slab(ei_hbm, 1, s * SLAB, CH, sa_v, sem_g)
        _load_slab(ei_hbm, 1, (s + NS) * SLAB, nb, sb_v, sem_g)
        pltpu.async_copy(xw_hbm.at[pl.ds(s * RPT, RPT)], xw_v, sem_x)

        def zdrain(i, _):
            pltpu.make_async_copy(
                zr_v, acc_sh.at[pl.ds(s * RPT, CHUNK)], sem_s).wait()
            pltpu.make_async_copy(
                z1_v, deg_sh.at[pl.ds(s * RPT, CHUNK)], sem_s).wait()
            return 0

        lax.fori_loop(0, RPT // CHUNK, zdrain, 0)
        _drain_slab(ei_hbm, sa_v, CH + nb, sem_g)
        plsc.subcore_barrier()

        def dfireA(j, _):
            pltpu.async_copy(ones_v, deg_sh.at[sa_v.at[j]], sem_s, add=True)
            return 0

        def dfireB(j, _):
            pltpu.async_copy(ones_v, deg_sh.at[sb_v.at[j]], sem_s, add=True)
            return 0

        lax.fori_loop(0, CH, dfireA, 0)
        lax.fori_loop(0, nb, dfireB, 0)

        def ddrain(j, _):
            pltpu.make_async_copy(ones_v, deg_sh.at[sa_v.at[0]], sem_s).wait()
            return 0

        lax.fori_loop(0, CH + nb, ddrain, 0)
        plsc.subcore_barrier()

        pltpu.sync_copy(deg_sh.at[pl.ds(s * RPT, RPT)], deg_v)

        def newton(i, _):
            u = deg_v[pl.ds(i * 16, 16)] + 1.0
            bi = plsc.bitcast(u, jnp.int32)
            bi = jnp.int32(0x5F3759DF) - lax.shift_right_logical(bi, 1)
            yv = plsc.bitcast(bi, jnp.float32)
            yv = yv * (1.5 - 0.5 * u * yv * yv)
            yv = yv * (1.5 - 0.5 * u * yv * yv)
            yv = yv * (1.5 - 0.5 * u * yv * yv)
            dis_v[pl.ds(i * 16, 16)] = yv
            return 0

        lax.fori_loop(0, RPT // 16, newton, 0)

        @pl.when(c == 0)
        def _():
            pltpu.async_copy(dis_v, dis_out.at[pl.ds(s * RPT, RPT)], sem_s)

        pltpu.make_async_copy(
            xw_hbm.at[pl.ds(s * RPT, RPT)], xw_v, sem_x).wait()

        @pl.when(c == 0)
        def _():
            pltpu.make_async_copy(
                dis_v, dis_out.at[pl.ds(s * RPT, RPT)], sem_s).wait()

        _sc_common_tail(c, s, wid, ei_hbm, sa_v, sb_v, rows_v, xw_v, 2,
                        st_v, dis_v, y_out.at[c], acc_sh, p_out, sem_g, sem_s)

    return k(xw1, ei)



@jax.jit
def _sc_layer2(xw2, dis, ei):
    @functools.partial(
        pl.kernel,
        mesh=_sc_mesh(),
        out_type=[
            jax.ShapeDtypeStruct((NC, PH, 4 * H), jnp.float32),
            jax.ShapeDtypeStruct((NC, NPAD, H), jnp.float32),
        ],
        scratch_types=[
            pltpu.VMEM((CH, CHUNK), jnp.int32),
            pltpu.VMEM((CH, CHUNK), jnp.int32),
            pltpu.VMEM((NBUF * CHUNK, H), jnp.float32),
            pltpu.VMEM((CHUNK, H), jnp.float32),
            pltpu.VMEM((CHUNK,), jnp.float32),
            pltpu.VMEM((CHUNK,), jnp.float32),
            pltpu.VMEM((RPT,), jnp.float32),
            pltpu.VMEM((PRT, 4 * H), jnp.float32),
            pltpu.VMEM((PRT, 4 * H), jnp.float32),
            pltpu.VMEM_SHARED((NPAD, H), jnp.float32),
            pltpu.SemaphoreType.DMA,
            pltpu.SemaphoreType.DMA,
            pltpu.SemaphoreType.DMA,
        ],
        compiler_params=_SC_PARAMS_NL,
    )
    def k(xw_hbm, dis_hbm, ei_hbm, p_out, y_out,
          sa_v, sb_v, rows_v, zr_v, ones_v, z1_v, dis_v, xw_v, st_v,
          acc_sh, sem_g, sem_s, sem_x):
        c = lax.axis_index("c")
        s = lax.axis_index("s")
        wid = c * NS + s
        _zero_buffers(zr_v, ones_v, z1_v)

        def zacc(i, _):
            pltpu.async_copy(
                zr_v, acc_sh.at[pl.ds(s * RPT + i * CHUNK, CHUNK)], sem_s)
            return 0

        lax.fori_loop(0, RPT // CHUNK, zacc, 0)
        pltpu.async_copy(dis_hbm.at[pl.ds(s * RPT, RPT)], dis_v, sem_x)
        pltpu.async_copy(xw_hbm.at[pl.ds(s * PRT, PRT)], xw_v, sem_x)

        def zdrain(i, _):
            pltpu.make_async_copy(
                zr_v, acc_sh.at[pl.ds(s * RPT, CHUNK)], sem_s).wait()
            return 0

        lax.fori_loop(0, RPT // CHUNK, zdrain, 0)
        pltpu.make_async_copy(
            dis_hbm.at[pl.ds(s * RPT, RPT)], dis_v, sem_x).wait()
        pltpu.make_async_copy(
            xw_hbm.at[pl.ds(s * PRT, PRT)], xw_v, sem_x).wait()
        _sc_common_tail(c, s, wid, ei_hbm, sa_v, sb_v, rows_v, xw_v, 8,
                        st_v, dis_v, y_out.at[c], acc_sh, p_out, sem_g, sem_s)

    return k(xw2, dis, ei)



def _tc_xw1(x, W1):
    def body(x_ref, w_ref, o_ref):
        o_ref[...] = jnp.dot(x_ref[...], w_ref[...],
                             preferred_element_type=jnp.float32)

    return pl.pallas_call(
        body,
        grid=(NPAD // RB,),
        in_specs=[
            pl.BlockSpec((RB, F), lambda i: (i, 0)),
            pl.BlockSpec((F, H), lambda i: (0, 0)),
        ],
        out_specs=pl.BlockSpec((RB, H), lambda i: (i, 0)),
        out_shape=jax.ShapeDtypeStruct((NPAD, H), jnp.float32),
    )(x, W1)


def _tc_mid(p1, b1b, W2b):
    def body(a0_ref, a1_ref, b_ref, w_ref, o_ref):
        h = jnp.maximum(a0_ref[0] + a1_ref[0] + b_ref[...], 0.0)
        o_ref[...] = jnp.dot(h, w_ref[...],
                             preferred_element_type=jnp.float32)

    return pl.pallas_call(
        body,
        grid=(PH // RBQ,),
        in_specs=[
            pl.BlockSpec((1, RBQ, 4 * H), lambda i: (0, i, 0)),
            pl.BlockSpec((1, RBQ, 4 * H), lambda i: (1, i, 0)),
            pl.BlockSpec((1, 4 * H), lambda i: (0, 0)),
            pl.BlockSpec((4 * H, 4 * H), lambda i: (0, 0)),
        ],
        out_specs=pl.BlockSpec((RBQ, 4 * H), lambda i: (i, 0)),
        out_shape=jax.ShapeDtypeStruct((PH, 4 * H), jnp.float32),
    )(p1, p1, b1b, W2b)


def _tc_out(p2, b2b, Wcb, bcb):
    def body(a0_ref, a1_ref, b_ref, wc_ref, bc_ref, o_ref):
        h = jnp.maximum(a0_ref[0] + a1_ref[0] + b_ref[...], 0.0)
        o_ref[...] = jnp.dot(
            h, wc_ref[...], preferred_element_type=jnp.float32) + bc_ref[...]

    return pl.pallas_call(
        body,
        grid=(PH // RBQ,),
        in_specs=[
            pl.BlockSpec((1, RBQ, 4 * H), lambda i: (0, i, 0)),
            pl.BlockSpec((1, RBQ, 4 * H), lambda i: (1, i, 0)),
            pl.BlockSpec((1, 4 * H), lambda i: (0, 0)),
            pl.BlockSpec((4 * H, O4), lambda i: (0, 0)),
            pl.BlockSpec((1, O4), lambda i: (0, 0)),
        ],
        out_specs=pl.BlockSpec((RBQ, O4), lambda i: (i, 0)),
        out_shape=jax.ShapeDtypeStruct((N // 4, O4), jnp.float32),
    )(p2, p2, b2b, Wcb, bcb)



def kernel(x, edge_index, W1, b1, W2, b2, Wc, bc):
    ei = edge_index.astype(jnp.int32)
    eye4 = jnp.eye(4, dtype=jnp.float32)
    W2b = jnp.kron(eye4, W2)
    Wcb = jnp.kron(eye4, Wc)
    b1b = jnp.tile(b1, 4).reshape(1, 4 * H)
    b2b = jnp.tile(b2, 4).reshape(1, 4 * H)
    bcb = jnp.tile(bc, 4).reshape(1, O4)

    xw1 = _tc_xw1(x, W1)
    p1, dis, _y1 = _sc_layer1(xw1, ei)
    xw2 = _tc_mid(p1, b1b, W2b)
    p2, _y2 = _sc_layer2(xw2, dis, ei)
    return _tc_out(p2, b2b, Wcb, bcb).reshape(N, O)

# --- scband reference (transcript-rebuilt; emitter-appended) ---
"""Pipeline reference for scband-reachability-gnn-3126736191959 (READ-ONLY COPY).

The authoritative reference and input builder live on the scoring server;
editing this copy changes nothing except your own understanding.
"""

import jax, jax.numpy as jnp
import numpy as np

N_NODES = 10000
N_EDGES = 320000
NODE_IN = 128
HIDDEN = 32
OUT = 4


def setup_inputs(seed: int = 0) -> dict:
    key = jax.random.key(seed)
    ks = jax.random.split(key, 10)
    x = jax.random.normal(ks[0], (N_NODES, NODE_IN), dtype=jnp.float32)
    edge_index = jax.random.randint(ks[1], (2, N_EDGES), 0, N_NODES, dtype=jnp.int64 if jax.config.jax_enable_x64 else jnp.int32)
    # GCNConv parameters (Glorot-style init, like torch_geometric)
    def glorot(k, fan_in, fan_out):
        limit = float(np.sqrt(6.0 / (fan_in + fan_out)))
        return jax.random.uniform(k, (fan_in, fan_out), minval=-limit, maxval=limit, dtype=jnp.float32)
    W1 = glorot(ks[2], NODE_IN, HIDDEN)
    b1 = jnp.zeros((HIDDEN,), dtype=jnp.float32)
    W2 = glorot(ks[3], HIDDEN, HIDDEN)
    b2 = jnp.zeros((HIDDEN,), dtype=jnp.float32)
    # nn.Linear classifier params
    limit_c = float(np.sqrt(1.0 / HIDDEN))
    Wc = jax.random.uniform(ks[4], (HIDDEN, OUT), minval=-limit_c, maxval=limit_c, dtype=jnp.float32)
    bc = jax.random.uniform(ks[5], (OUT,), minval=-limit_c, maxval=limit_c, dtype=jnp.float32)
    return {"x": x, "edge_index": edge_index, "W1": W1, "b1": b1, "W2": W2, "b2": b2, "Wc": Wc, "bc": bc}


def gcn_conv(x, edge_index, W, b, num_nodes):
    # x' = D^{-1/2} (A + I) D^{-1/2} X W + b   (GCNConv with add_self_loops=True)
    src = edge_index[0]
    dst = edge_index[1]
    loop = jnp.arange(num_nodes, dtype=src.dtype)
    src = jnp.concatenate([src, loop])
    dst = jnp.concatenate([dst, loop])
    deg = jnp.zeros((num_nodes,), dtype=jnp.float32).at[dst].add(1.0)
    deg_inv_sqrt = jnp.where(deg > 0, 1.0 / jnp.sqrt(deg), 0.0)
    norm = deg_inv_sqrt[src] * deg_inv_sqrt[dst]
    xw = x @ W
    msgs = xw[src] * norm[:, None]
    out = jnp.zeros((num_nodes, W.shape[1]), dtype=jnp.float32).at[dst].add(msgs)
    return out + b


def reference(x, edge_index, W1, b1, W2, b2, Wc, bc):
    num_nodes = x.shape[0]
    h = jax.nn.relu(gcn_conv(x, edge_index, W1, b1, num_nodes))
    h = jax.nn.relu(gcn_conv(h, edge_index, W2, b2, num_nodes))
    return h @ Wc + bc

if __name__ == "__main__":
    import jax
    _d = setup_inputs()
    print(jax.jit(kernel)(*tuple(_d.values())))

</pallas_src>

<mosaic_0001>
#map = affine_map<(d0, d1) -> (0, 0)>
#map1 = affine_map<(d0, d1) -> (0, 0, 0)>
#map2 = affine_map<(d0, d1) -> (0)>
module attributes {stable_mosaic.version = 14 : i64} {
  func.func @k(%arg0: i32, %arg1: i32, %arg2: memref<10240x32xf32, #tpu.memory_space<hbm>>, %arg3: memref<2x320000xi32, #tpu.memory_space<hbm>>, %arg4: memref<2x2560x128xf32, #tpu.memory_space<hbm>>, %arg5: memref<10240xf32, #tpu.memory_space<hbm>>, %arg6: memref<2x10240x32xf32, #tpu.memory_space<hbm>>, %arg7: memref<80x128xi32, #tpu.memory_space<vmem>>, %arg8: memref<80x128xi32, #tpu.memory_space<vmem>>, %arg9: memref<1024x32xf32, #tpu.memory_space<vmem>>, %arg10: memref<128x32xf32, #tpu.memory_space<vmem>>, %arg11: memref<128xf32, #tpu.memory_space<vmem>>, %arg12: memref<128xf32, #tpu.memory_space<vmem>>, %arg13: memref<640xf32, #tpu.memory_space<vmem>>, %arg14: memref<640xf32, #tpu.memory_space<vmem>>, %arg15: memref<640x32xf32, #tpu.memory_space<vmem>>, %arg16: memref<160x128xf32, #tpu.memory_space<vmem>>, %arg17: memref<10240xf32, #tpu.memory_space<vmem_shared>>, %arg18: memref<10240x32xf32, #tpu.memory_space<vmem_shared>>, %arg19: memref<!tpu.dma_semaphore, #tpu.memory_space<semaphore_mem>>, %arg20: memref<!tpu.dma_semaphore, #tpu.memory_space<semaphore_mem>>, %arg21: memref<!tpu.dma_semaphore, #tpu.memory_space<semaphore_mem>>) attributes {dimension_semantics = [#tpu.dimension_semantics<core_parallel>, #tpu.dimension_semantics<subcore_parallel>], iteration_bounds = array<i64: 2, 16>, scalar_prefetch = 0 : i64, scratch_operands = 15 : i64, tpu.core_type = #tpu.core_type<sc_vector_subcore>, window_params = [{transform_indices = #map}, {transform_indices = #map}, {transform_indices = #map1}, {transform_indices = #map2}, {transform_indices = #map1}]} {
    %mul3A = arith.constant 16 : i32
    %mul3A_0 = arith.muli %arg0, %mul3A : i32
    %add3A = arith.addi %mul3A_0, %arg1 : i32
    %scan3A = arith.constant 0 : i32
    %scan3A_1 = arith.constant 0 : i32
    %scan3A_2 = arith.constant 8 : i32
    %scan3A_3 = arith.addi %scan3A_1, %scan3A_2 : i32
    %scan3A_4 = arith.constant 1 : i32
    %scan3A_5 = scf.for %scan3A_292 = %scan3A_1 to %scan3A_3 step %scan3A_4 iter_args(%scan3A_293 = %scan3A) -> (i32)  : i32 {
      %broadcast_in_dim3A = arith.constant 1.000000e+00 : f32
      %broadcast_in_dim3A_294 = vector.broadcast %broadcast_in_dim3A : f32 to vector<16xf32>
      %mul3A_295 = arith.constant 16 : i32
      %mul3A_296 = arith.muli %scan3A_292, %mul3A_295 : i32
      %swap3A = arith.index_cast %mul3A_296 : i32 to index
      %swap3A_297 = tpu.vector_load %arg11[%swap3A] {strides = array<i32>} : memref<128xf32, #tpu.memory_space<vmem>>, vector<16xf32>,
      tpu.vector_store %arg11[%swap3A], %broadcast_in_dim3A_294 {strides = array<i32>} : memref<128xf32, #tpu.memory_space<vmem>>, vector<16xf32>,
      %broadcast_in_dim3A_298 = arith.constant 0.000000e+00 : f32
      %broadcast_in_dim3A_299 = vector.broadcast %broadcast_in_dim3A_298 : f32 to vector<16xf32>
      %mul3A_300 = arith.constant 16 : i32
      %mul3A_301 = arith.muli %scan3A_292, %mul3A_300 : i32
      %swap3A_302 = arith.index_cast %mul3A_301 : i32 to index
      %swap3A_303 = tpu.vector_load %arg12[%swap3A_302] {strides = array<i32>} : memref<128xf32, #tpu.memory_space<vmem>>, vector<16xf32>,
      tpu.vector_store %arg12[%swap3A_302], %broadcast_in_dim3A_299 {strides = array<i32>} : memref<128xf32, #tpu.memory_space<vmem>>, vector<16xf32>,
      %scan3A_304 = arith.constant 0 : i32
      scf.yield %scan3A_304 : i32
    }
    %scan3A_6 = arith.constant 8 : i32
    %scan3A_7 = arith.constant 0 : i32
    %scan3A_8 = arith.constant 0 : i32
    %scan3A_9 = arith.constant 128 : i32
    %scan3A_10 = arith.addi %scan3A_8, %scan3A_9 : i32
    %scan3A_11 = arith.constant 1 : i32
    %scan3A_12 = scf.for %scan3A_292 = %scan3A_8 to %scan3A_10 step %scan3A_11 iter_args(%scan3A_293 = %scan3A_7) -> (i32)  : i32 {
      %broadcast_in_dim3A = arith.constant 0.000000e+00 : f32
      %broadcast_in_dim3A_294 = vector.broadcast %broadcast_in_dim3A : f32 to vector<16xf32>
      %swap3A = arith.index_cast %scan3A_292 : i32 to index
      %swap3A_295 = arith.constant 0 : index
      %swap3A_296 = tpu.vector_load %arg10[%swap3A, %swap3A_295] {strides = array<i32>} : memref<128x32xf32, #tpu.memory_space<vmem>>, vector<16xf32>,
      tpu.vector_store %arg10[%swap3A, %swap3A_295], %broadcast_in_dim3A_294 {strides = array<i32>} : memref<128x32xf32, #tpu.memory_space<vmem>>, vector<16xf32>,
      %broadcast_in_dim3A_297 = arith.constant 0.000000e+00 : f32
      %broadcast_in_dim3A_298 = vector.broadcast %broadcast_in_dim3A_297 : f32 to vector<16xf32>
      %swap3A_299 = arith.index_cast %scan3A_292 : i32 to index
      %swap3A_300 = arith.constant 16 : index
      %swap3A_301 = tpu.vector_load %arg10[%swap3A_299, %swap3A_300] {strides = array<i32>} : memref<128x32xf32, #tpu.memory_space<vmem>>, vector<16xf32>,
      tpu.vector_store %arg10[%swap3A_299, %swap3A_300], %broadcast_in_dim3A_298 {strides = array<i32>} : memref<128x32xf32, #tpu.memory_space<vmem>>, vector<16xf32>,
      %scan3A_302 = arith.constant 0 : i32
      scf.yield %scan3A_302 : i32
    }
    %scan3A_13 = arith.constant 128 : i32
    %scan3A_14 = arith.constant 0 : i32
    %scan3A_15 = arith.constant 0 : i32
    %scan3A_16 = arith.constant 5 : i32
    %scan3A_17 = arith.addi %scan3A_15, %scan3A_16 : i32
    %scan3A_18 = arith.constant 1 : i32
    %scan3A_19 = scf.for %scan3A_292 = %scan3A_15 to %scan3A_17 step %scan3A_18 iter_args(%scan3A_293 = %scan3A_14) -> (i32)  : i32 {
      %mul3A_294 = arith.constant 640 : i32
      %mul3A_295 = arith.muli %arg1, %mul3A_294 : i32
      %mul3A_296 = arith.constant 128 : i32
      %mul3A_297 = arith.muli %scan3A_292, %mul3A_296 : i32
      %add3A_298 = arith.addi %mul3A_295, %mul3A_297 : i32
      %dma_start3A_299 = arith.constant 0 : i32
      %dma_start3A_300 = tpu.memref_slice %arg18[%add3A_298, %dma_start3A_299] : memref<10240x32xf32, #tpu.memory_space<vmem_shared>> -> memref<128x32xf32, #tpu.memory_space<vmem_shared>>
      %dma_start3A_301 = arith.constant 0 : i32
      %dma_start3A_302 = tpu.memref_slice %arg18[%add3A_298, %dma_start3A_301] : memref<10240x32xf32, #tpu.memory_space<vmem_shared>> -> memref<128x32xf32, #tpu.memory_space<vmem_shared>>
      tpu.enqueue_dma source(%arg10 : memref<128x32xf32, #tpu.memory_space<vmem>>) target(%dma_start3A_302 : memref<128x32xf32, #tpu.memory_space<vmem_shared>>) target_semaphore(%arg20 : memref<!tpu.dma_semaphore, #tpu.memory_space<semaphore_mem>>)
      %mul3A_303 = arith.constant 640 : i32
      %mul3A_304 = arith.muli %arg1, %mul3A_303 : i32
      %mul3A_305 = arith.constant 128 : i32
      %mul3A_306 = arith.muli %scan3A_292, %mul3A_305 : i32
      %add3A_307 = arith.addi %mul3A_304, %mul3A_306 : i32
      %dma_start3A_308 = tpu.memref_slice %arg17[%add3A_307] : memref<10240xf32, #tpu.memory_space<vmem_shared>> -> memref<128xf32, #tpu.memory_space<vmem_shared>>
      %dma_start3A_309 = tpu.memref_slice %arg17[%add3A_307] : memref<10240xf32, #tpu.memory_space<vmem_shared>> -> memref<128xf32, #tpu.memory_space<vmem_shared>>
      tpu.enqueue_dma source(%arg12 : memref<128xf32, #tpu.memory_space<vmem>>) target(%dma_start3A_309 : memref<128xf32, #tpu.memory_space<vmem_shared>>) target_semaphore(%arg20 : memref<!tpu.dma_semaphore, #tpu.memory_space<semaphore_mem>>)
      %scan3A_310 = arith.constant 0 : i32
      scf.yield %scan3A_310 : i32
    }
    %scan3A_20 = arith.constant 5 : i32
    %eq3A = arith.constant 15 : i32
    %eq3A_21 = arith.cmpi eq, %arg1, %eq3A : i32
    %jit3A = arith.constant 20 : i32
    %jit3A_22 = arith.constant 80 : i32
    %select_n3A = arith.select %eq3A_21, %jit3A, %jit3A_22 : i32
    %mul3A_23 = arith.constant 10240 : i32
    %mul3A_24 = arith.muli %arg1, %mul3A_23 : i32
    %scan3A_25 = arith.constant 0 : i32
    %scan3A_26 = arith.constant 0 : i32
    %scan3A_27 = arith.constant 80 : i32
    %scan3A_28 = arith.addi %scan3A_26, %scan3A_27 : i32
    %scan3A_29 = arith.constant 1 : i32
    %scan3A_30 = scf.for %scan3A_292 = %scan3A_26 to %scan3A_28 step %scan3A_29 iter_args(%scan3A_293 = %scan3A_25) -> (i32)  : i32 {
      %mul3A_294 = arith.constant 128 : i32
      %mul3A_295 = arith.muli %scan3A_292, %mul3A_294 : i32
      %add3A_296 = arith.addi %mul3A_24, %mul3A_295 : i32
      %dma_start3A_297 = arith.constant 1 : i32
      %dma_start3A_298 = arith.constant 0 : i32
      %dma_start3A_299 = tpu.memref_slice %arg7[%scan3A_292, %dma_start3A_298] : memref<80x128xi32, #tpu.memory_space<vmem>> -> memref<1x128xi32, #tpu.memory_space<vmem>>
      %dma_start3A_300 = tpu.memref_squeeze %dma_start3A_299 : memref<1x128xi32, #tpu.memory_space<vmem>> -> memref<128xi32, #tpu.memory_space<vmem>>
      %dma_start3A_301 = tpu.memref_slice %arg3[%dma_start3A_297, %add3A_296] : memref<2x320000xi32, #tpu.memory_space<hbm>> -> memref<1x128xi32, #tpu.memory_space<hbm>>
      %dma_start3A_302 = tpu.memref_squeeze %dma_start3A_301 : memref<1x128xi32, #tpu.memory_space<hbm>> -> memref<128xi32, #tpu.memory_space<hbm>>
      %dma_start3A_303 = arith.constant 0 : i32
      %dma_start3A_304 = tpu.memref_slice %arg7[%scan3A_292, %dma_start3A_303] : memref<80x128xi32, #tpu.memory_space<vmem>> -> memref<1x128xi32, #tpu.memory_space<vmem>>
      %dma_start3A_305 = tpu.memref_squeeze %dma_start3A_304 : memref<1x128xi32, #tpu.memory_space<vmem>> -> memref<128xi32, #tpu.memory_space<vmem>>
      %dma_start3A_306 = tpu.memref_slice %arg3[%dma_start3A_297, %add3A_296] : memref<2x320000xi32, #tpu.memory_space<hbm>> -> memref<1x128xi32, #tpu.memory_space<hbm>>
      %dma_start3A_307 = tpu.memref_squeeze %dma_start3A_306 : memref<1x128xi32, #tpu.memory_space<hbm>> -> memref<128xi32, #tpu.memory_space<hbm>>
      tpu.enqueue_dma source(%dma_start3A_307 : memref<128xi32, #tpu.memory_space<hbm>>) target(%dma_start3A_305 : memref<128xi32, #tpu.memory_space<vmem>>) target_semaphore(%arg19 : memref<!tpu.dma_semaphore, #tpu.memory_space<semaphore_mem>>)
      %scan3A_308 = arith.constant 0 : i32
      scf.yield %scan3A_308 : i32
    }
    %scan3A_31 = arith.constant 80 : i32
    %add3A_32 = arith.constant 16 : i32
    %add3A_33 = arith.addi %arg1, %add3A_32 : i32
    %mul3A_34 = arith.constant 10240 : i32
    %mul3A_35 = arith.muli %add3A_33, %mul3A_34 : i32
    %while3A = arith.constant 0 : i32
    %while3A_36 = arith.constant 0 : i32
    %while3A_37 = arith.subi %select_n3A, %while3A : i32
    %while3A_38 = arith.addi %while3A, %while3A_37 : i32
    %while3A_39 = arith.constant 1 : i32
    %while3A_40 = arith.divsi %while3A_37, %while3A_39 : i32
    %while3A_41 = arith.muli %while3A_40, %while3A_39 : i32
    %while3A_42 = arith.addi %while3A, %while3A_41 : i32
    %while3A_43 = arith.constant 1 : i32
    %while3A_44 = scf.for %while3A_292 = %while3A to %while3A_42 step %while3A_43 iter_args(%while3A_293 = %while3A_36) -> (i32)  : i32 {
      %mul3A_294 = arith.constant 128 : i32
      %mul3A_295 = arith.muli %while3A_292, %mul3A_294 : i32
      %add3A_296 = arith.addi %mul3A_35, %mul3A_295 : i32
      %dma_start3A_297 = arith.constant 1 : i32
      %dma_start3A_298 = arith.constant 0 : i32
      %dma_start3A_299 = tpu.memref_slice %arg8[%while3A_292, %dma_start3A_298] : memref<80x128xi32, #tpu.memory_space<vmem>> -> memref<1x128xi32, #tpu.memory_space<vmem>>
      %dma_start3A_300 = tpu.memref_squeeze %dma_start3A_299 : memref<1x128xi32, #tpu.memory_space<vmem>> -> memref<128xi32, #tpu.memory_space<vmem>>
      %dma_start3A_301 = tpu.memref_slice %arg3[%dma_start3A_297, %add3A_296] : memref<2x320000xi32, #tpu.memory_space<hbm>> -> memref<1x128xi32, #tpu.memory_space<hbm>>
      %dma_start3A_302 = tpu.memref_squeeze %dma_start3A_301 : memref<1x128xi32, #tpu.memory_space<hbm>> -> memref<128xi32, #tpu.memory_space<hbm>>
      %dma_start3A_303 = arith.constant 0 : i32
      %dma_start3A_304 = tpu.memref_slice %arg8[%while3A_292, %dma_start3A_303] : memref<80x128xi32, #tpu.memory_space<vmem>> -> memref<1x128xi32, #tpu.memory_space<vmem>>
      %dma_start3A_305 = tpu.memref_squeeze %dma_start3A_304 : memref<1x128xi32, #tpu.memory_space<vmem>> -> memref<128xi32, #tpu.memory_space<vmem>>
      %dma_start3A_306 = tpu.memref_slice %arg3[%dma_start3A_297, %add3A_296] : memref<2x320000xi32, #tpu.memory_space<hbm>> -> memref<1x128xi32, #tpu.memory_space<hbm>>
      %dma_start3A_307 = tpu.memref_squeeze %dma_start3A_306 : memref<1x128xi32, #tpu.memory_space<hbm>> -> memref<128xi32, #tpu.memory_space<hbm>>
      tpu.enqueue_dma source(%dma_start3A_307 : memref<128xi32, #tpu.memory_space<hbm>>) target(%dma_start3A_305 : memref<128xi32, #tpu.memory_space<vmem>>) target_semaphore(%arg19 : memref<!tpu.dma_semaphore, #tpu.memory_space<semaphore_mem>>)
      %while3A_308 = arith.constant 0 : i32
      scf.yield %while3A_308 : i32
    }
    %while3A_45 = arith.constant 1 : i32
    %while3A_46 = scf.for %while3A_292 = %while3A_42 to %while3A_38 step %while3A_45 iter_args(%while3A_293 = %while3A_44) -> (i32)  : i32 {
      %mul3A_294 = arith.constant 128 : i32
      %mul3A_295 = arith.muli %while3A_292, %mul3A_294 : i32
      %add3A_296 = arith.addi %mul3A_35, %mul3A_295 : i32
      %dma_start3A_297 = arith.constant 1 : i32
      %dma_start3A_298 = arith.constant 0 : i32
      %dma_start3A_299 = tpu.memref_slice %arg8[%while3A_292, %dma_start3A_298] : memref<80x128xi32, #tpu.memory_space<vmem>> -> memref<1x128xi32, #tpu.memory_space<vmem>>
      %dma_start3A_300 = tpu.memref_squeeze %dma_start3A_299 : memref<1x128xi32, #tpu.memory_space<vmem>> -> memref<128xi32, #tpu.memory_space<vmem>>
      %dma_start3A_301 = tpu.memref_slice %arg3[%dma_start3A_297, %add3A_296] : memref<2x320000xi32, #tpu.memory_space<hbm>> -> memref<1x128xi32, #tpu.memory_space<hbm>>
      %dma_start3A_302 = tpu.memref_squeeze %dma_start3A_301 : memref<1x128xi32, #tpu.memory_space<hbm>> -> memref<128xi32, #tpu.memory_space<hbm>>
      %dma_start3A_303 = arith.constant 0 : i32
      %dma_start3A_304 = tpu.memref_slice %arg8[%while3A_292, %dma_start3A_303] : memref<80x128xi32, #tpu.memory_space<vmem>> -> memref<1x128xi32, #tpu.memory_space<vmem>>
      %dma_start3A_305 = tpu.memref_squeeze %dma_start3A_304 : memref<1x128xi32, #tpu.memory_space<vmem>> -> memref<128xi32, #tpu.memory_space<vmem>>
      %dma_start3A_306 = tpu.memref_slice %arg3[%dma_start3A_297, %add3A_296] : memref<2x320000xi32, #tpu.memory_space<hbm>> -> memref<1x128xi32, #tpu.memory_space<hbm>>
      %dma_start3A_307 = tpu.memref_squeeze %dma_start3A_306 : memref<1x128xi32, #tpu.memory_space<hbm>> -> memref<128xi32, #tpu.memory_space<hbm>>
      tpu.enqueue_dma source(%dma_start3A_307 : memref<128xi32, #tpu.memory_space<hbm>>) target(%dma_start3A_305 : memref<128xi32, #tpu.memory_space<vmem>>) target_semaphore(%arg19 : memref<!tpu.dma_semaphore, #tpu.memory_space<semaphore_mem>>)
      %while3A_308 = arith.constant 0 : i32
      scf.yield %while3A_308 : i32
    }
    %mul3A_47 = arith.constant 640 : i32
    %mul3A_48 = arith.muli %arg1, %mul3A_47 : i32
    %dma_start3A = arith.constant 0 : i32
    %dma_start3A_49 = tpu.memref_slice %arg2[%mul3A_48, %dma_start3A] : memref<10240x32xf32, #tpu.memory_space<hbm>> -> memref<640x32xf32, #tpu.memory_space<hbm>>
    %dma_start3A_50 = arith.constant 0 : i32
    %dma_start3A_51 = tpu.memref_slice %arg2[%mul3A_48, %dma_start3A_50] : memref<10240x32xf32, #tpu.memory_space<hbm>> -> memref<640x32xf32, #tpu.memory_space<hbm>>
    tpu.enqueue_dma source(%dma_start3A_51 : memref<640x32xf32, #tpu.memory_space<hbm>>) target(%arg15 : memref<640x32xf32, #tpu.memory_space<vmem>>) target_semaphore(%arg21 : memref<!tpu.dma_semaphore, #tpu.memory_space<semaphore_mem>>)
    %scan3A_52 = arith.constant 0 : i32
    %scan3A_53 = arith.constant 0 : i32
    %scan3A_54 = arith.constant 5 : i32
    %scan3A_55 = arith.addi %scan3A_53, %scan3A_54 : i32
    %scan3A_56 = arith.constant 1 : i32
    %scan3A_57 = scf.for %scan3A_292 = %scan3A_53 to %scan3A_55 step %scan3A_56 iter_args(%scan3A_293 = %scan3A_52) -> (i32)  : i32 {
      %mul3A_294 = arith.constant 640 : i32
      %mul3A_295 = arith.muli %arg1, %mul3A_294 : i32
      %dma_wait3A_296 = arith.constant 0 : i32
      %dma_wait3A_297 = tpu.memref_slice %arg18[%mul3A_295, %dma_wait3A_296] : memref<10240x32xf32, #tpu.memory_space<vmem_shared>> -> memref<128x32xf32, #tpu.memory_space<vmem_shared>>
      %dma_wait3A_298 = arith.constant 0 : i32
      %dma_wait3A_299 = tpu.memref_slice %arg18[%mul3A_295, %dma_wait3A_298] : memref<10240x32xf32, #tpu.memory_space<vmem_shared>> -> memref<128x32xf32, #tpu.memory_space<vmem_shared>>
      tpu.wait_dma2 semaphore(%arg20 : memref<!tpu.dma_semaphore, #tpu.memory_space<semaphore_mem>>) src(%arg10 : memref<128x32xf32, #tpu.memory_space<vmem>>) dst(%dma_wait3A_299 : memref<128x32xf32, #tpu.memory_space<vmem_shared>>)
      %mul3A_300 = arith.constant 640 : i32
      %mul3A_301 = arith.muli %arg1, %mul3A_300 : i32
      %dma_wait3A_302 = tpu.memref_slice %arg17[%mul3A_301] : memref<10240xf32, #tpu.memory_space<vmem_shared>> -> memref<128xf32, #tpu.memory_space<vmem_shared>>
      %dma_wait3A_303 = tpu.memref_slice %arg17[%mul3A_301] : memref<10240xf32, #tpu.memory_space<vmem_shared>> -> memref<128xf32, #tpu.memory_space<vmem_shared>>
      tpu.wait_dma2 semaphore(%arg20 : memref<!tpu.dma_semaphore, #tpu.memory_space<semaphore_mem>>) src(%arg12 : memref<128xf32, #tpu.memory_space<vmem>>) dst(%dma_wait3A_303 : memref<128xf32, #tpu.memory_space<vmem_shared>>)
      %scan3A_304 = arith.constant 0 : i32
      scf.yield %scan3A_304 : i32
    }
    %scan3A_58 = arith.constant 5 : i32
    %add3A_59 = arith.constant 80 : i32
    %add3A_60 = arith.addi %add3A_59, %select_n3A : i32
    %while3A_61 = arith.constant 0 : i32
    %while3A_62 = arith.constant 0 : i32
    %while3A_63 = arith.subi %add3A_60, %while3A_61 : i32
    %while3A_64 = arith.addi %while3A_61, %while3A_63 : i32
    %while3A_65 = arith.constant 1 : i32
    %while3A_66 = arith.divsi %while3A_63, %while3A_65 : i32
    %while3A_67 = arith.muli %while3A_66, %while3A_65 : i32
    %while3A_68 = arith.addi %while3A_61, %while3A_67 : i32
    %while3A_69 = arith.constant 1 : i32
    %while3A_70 = scf.for %while3A_292 = %while3A_61 to %while3A_68 step %while3A_69 iter_args(%while3A_293 = %while3A_62) -> (i32)  : i32 {
      %dma_wait3A_294 = arith.constant 0 : i32
      %dma_wait3A_295 = arith.constant 0 : i32
      %dma_wait3A_296 = arith.constant 0 : i32
      %dma_wait3A_297 = tpu.memref_slice %arg7[%dma_wait3A_295, %dma_wait3A_296] : memref<80x128xi32, #tpu.memory_space<vmem>> -> memref<1x128xi32, #tpu.memory_space<vmem>>
      %dma_wait3A_298 = tpu.memref_squeeze %dma_wait3A_297 : memref<1x128xi32, #tpu.memory_space<vmem>> -> memref<128xi32, #tpu.memory_space<vmem>>
      %dma_wait3A_299 = arith.constant 0 : i32
      %dma_wait3A_300 = tpu.memref_slice %arg3[%dma_wait3A_294, %dma_wait3A_299] : memref<2x320000xi32, #tpu.memory_space<hbm>> -> memref<1x128xi32, #tpu.memory_space<hbm>>
      %dma_wait3A_301 = tpu.memref_squeeze %dma_wait3A_300 : memref<1x128xi32, #tpu.memory_space<hbm>> -> memref<128xi32, #tpu.memory_space<hbm>>
      %dma_wait3A_302 = arith.constant 0 : i32
      %dma_wait3A_303 = tpu.memref_slice %arg7[%dma_wait3A_295, %dma_wait3A_302] : memref<80x128xi32, #tpu.memory_space<vmem>> -> memref<1x128xi32, #tpu.memory_space<vmem>>
      %dma_wait3A_304 = tpu.memref_squeeze %dma_wait3A_303 : memref<1x128xi32, #tpu.memory_space<vmem>> -> memref<128xi32, #tpu.memory_space<vmem>>
      %dma_wait3A_305 = arith.constant 0 : i32
      %dma_wait3A_306 = tpu.memref_slice %arg3[%dma_wait3A_294, %dma_wait3A_305] : memref<2x320000xi32, #tpu.memory_space<hbm>> -> memref<1x128xi32, #tpu.memory_space<hbm>>
      %dma_wait3A_307 = tpu.memref_squeeze %dma_wait3A_306 : memref<1x128xi32, #tpu.memory_space<hbm>> -> memref<128xi32, #tpu.memory_space<hbm>>
      tpu.wait_dma2 semaphore(%arg19 : memref<!tpu.dma_semaphore, #tpu.memory_space<semaphore_mem>>) src(%dma_wait3A_307 : memref<128xi32, #tpu.memory_space<hbm>>) dst(%dma_wait3A_304 : memref<128xi32, #tpu.memory_space<vmem>>)
      %while3A_308 = arith.constant 0 : i32
      scf.yield %while3A_308 : i32
    }
    %while3A_71 = arith.constant 1 : i32
    %while3A_72 = scf.for %while3A_292 = %while3A_68 to %while3A_64 step %while3A_71 iter_args(%while3A_293 = %while3A_70) -> (i32)  : i32 {
      %dma_wait3A_294 = arith.constant 0 : i32
      %dma_wait3A_295 = arith.constant 0 : i32
      %dma_wait3A_296 = arith.constant 0 : i32
      %dma_wait3A_297 = tpu.memref_slice %arg7[%dma_wait3A_295, %dma_wait3A_296] : memref<80x128xi32, #tpu.memory_space<vmem>> -> memref<1x128xi32, #tpu.memory_space<vmem>>
      %dma_wait3A_298 = tpu.memref_squeeze %dma_wait3A_297 : memref<1x128xi32, #tpu.memory_space<vmem>> -> memref<128xi32, #tpu.memory_space<vmem>>
      %dma_wait3A_299 = arith.constant 0 : i32
      %dma_wait3A_300 = tpu.memref_slice %arg3[%dma_wait3A_294, %dma_wait3A_299] : memref<2x320000xi32, #tpu.memory_space<hbm>> -> memref<1x128xi32, #tpu.memory_space<hbm>>
      %dma_wait3A_301 = tpu.memref_squeeze %dma_wait3A_300 : memref<1x128xi32, #tpu.memory_space<hbm>> -> memref<128xi32, #tpu.memory_space<hbm>>
      %dma_wait3A_302 = arith.constant 0 : i32
      %dma_wait3A_303 = tpu.memref_slice %arg7[%dma_wait3A_295, %dma_wait3A_302] : memref<80x128xi32, #tpu.memory_space<vmem>> -> memref<1x128xi32, #tpu.memory_space<vmem>>
      %dma_wait3A_304 = tpu.memref_squeeze %dma_wait3A_303 : memref<1x128xi32, #tpu.memory_space<vmem>> -> memref<128xi32, #tpu.memory_space<vmem>>
      %dma_wait3A_305 = arith.constant 0 : i32
      %dma_wait3A_306 = tpu.memref_slice %arg3[%dma_wait3A_294, %dma_wait3A_305] : memref<2x320000xi32, #tpu.memory_space<hbm>> -> memref<1x128xi32, #tpu.memory_space<hbm>>
      %dma_wait3A_307 = tpu.memref_squeeze %dma_wait3A_306 : memref<1x128xi32, #tpu.memory_space<hbm>> -> memref<128xi32, #tpu.memory_space<hbm>>
      tpu.wait_dma2 semaphore(%arg19 : memref<!tpu.dma_semaphore, #tpu.memory_space<semaphore_mem>>) src(%dma_wait3A_307 : memref<128xi32, #tpu.memory_space<hbm>>) dst(%dma_wait3A_304 : memref<128xi32, #tpu.memory_space<vmem>>)
      %while3A_308 = arith.constant 0 : i32
      scf.yield %while3A_308 : i32
    }
    %barrier3A = arith.constant 0 : index
    tpu.barrier barrier_id(%barrier3A)
    %scan3A_73 = arith.constant 0 : i32
    %scan3A_74 = arith.constant 0 : i32
    %scan3A_75 = arith.constant 80 : i32
    %scan3A_76 = arith.addi %scan3A_74, %scan3A_75 : i32
    %scan3A_77 = arith.constant 1 : i32
    %scan3A_78 = scf.for %scan3A_292 = %scan3A_74 to %scan3A_76 step %scan3A_77 iter_args(%scan3A_293 = %scan3A_73) -> (i32)  : i32 {
      %dma_start3A_294 = arith.constant 0 : i32
      %dma_start3A_295 = tpu.memref_slice %arg7[%scan3A_292, %dma_start3A_294] : memref<80x128xi32, #tpu.memory_space<vmem>> -> memref<1x128xi32, #tpu.memory_space<vmem>>
      %dma_start3A_296 = tpu.memref_squeeze %dma_start3A_295 : memref<1x128xi32, #tpu.memory_space<vmem>> -> memref<128xi32, #tpu.memory_space<vmem>>
      %dma_start3A_297 = arith.constant 0 : i32
      %dma_start3A_298 = tpu.memref_slice %arg17[%dma_start3A_297] : memref<10240xf32, #tpu.memory_space<vmem_shared>> -> memref<10240xf32, #tpu.memory_space<vmem_shared>>
      tpu.enqueue_indirect_dma source(%arg11 : memref<128xf32, #tpu.memory_space<vmem>>) target(%dma_start3A_298 : memref<10240xf32, #tpu.memory_space<vmem_shared>>) offsets(%dma_start3A_296 : memref<128xi32, #tpu.memory_space<vmem>>) semaphore(%arg20 : memref<!tpu.dma_semaphore, #tpu.memory_space<semaphore_mem>>) {add = true}
      %scan3A_299 = arith.constant 0 : i32
      scf.yield %scan3A_299 : i32
    }
    %scan3A_79 = arith.constant 80 : i32
    %while3A_80 = arith.constant 0 : i32
    %while3A_81 = arith.constant 0 : i32
    %while3A_82 = arith.subi %select_n3A, %while3A_80 : i32
    %while3A_83 = arith.addi %while3A_80, %while3A_82 : i32
    %while3A_84 = arith.constant 1 : i32
    %while3A_85 = arith.divsi %while3A_82, %while3A_84 : i32
    %while3A_86 = arith.muli %while3A_85, %while3A_84 : i32
    %while3A_87 = arith.addi %while3A_80, %while3A_86 : i32
    %while3A_88 = arith.constant 1 : i32
    %while3A_89 = scf.for %while3A_292 = %while3A_80 to %while3A_87 step %while3A_88 iter_args(%while3A_293 = %while3A_81) -> (i32)  : i32 {
      %dma_start3A_294 = arith.constant 0 : i32
      %dma_start3A_295 = tpu.memref_slice %arg8[%while3A_292, %dma_start3A_294] : memref<80x128xi32, #tpu.memory_space<vmem>> -> memref<1x128xi32, #tpu.memory_space<vmem>>
      %dma_start3A_296 = tpu.memref_squeeze %dma_start3A_295 : memref<1x128xi32, #tpu.memory_space<vmem>> -> memref<128xi32, #tpu.memory_space<vmem>>
      %dma_start3A_297 = arith.constant 0 : i32
      %dma_start3A_298 = tpu.memref_slice %arg17[%dma_start3A_297] : memref<10240xf32, #tpu.memory_space<vmem_shared>> -> memref<10240xf32, #tpu.memory_space<vmem_shared>>
      tpu.enqueue_indirect_dma source(%arg11 : memref<128xf32, #tpu.memory_space<vmem>>) target(%dma_start3A_298 : memref<10240xf32, #tpu.memory_space<vmem_shared>>) offsets(%dma_start3A_296 : memref<128xi32, #tpu.memory_space<vmem>>) semaphore(%arg20 : memref<!tpu.dma_semaphore, #tpu.memory_space<semaphore_mem>>) {add = true}
      %while3A_299 = arith.constant 0 : i32
      scf.yield %while3A_299 : i32
    }
    %while3A_90 = arith.constant 1 : i32
    %while3A_91 = scf.for %while3A_292 = %while3A_87 to %while3A_83 step %while3A_90 iter_args(%while3A_293 = %while3A_89) -> (i32)  : i32 {
      %dma_start3A_294 = arith.constant 0 : i32
      %dma_start3A_295 = tpu.memref_slice %arg8[%while3A_292, %dma_start3A_294] : memref<80x128xi32, #tpu.memory_space<vmem>> -> memref<1x128xi32, #tpu.memory_space<vmem>>
      %dma_start3A_296 = tpu.memref_squeeze %dma_start3A_295 : memref<1x128xi32, #tpu.memory_space<vmem>> -> memref<128xi32, #tpu.memory_space<vmem>>
      %dma_start3A_297 = arith.constant 0 : i32
      %dma_start3A_298 = tpu.memref_slice %arg17[%dma_start3A_297] : memref<10240xf32, #tpu.memory_space<vmem_shared>> -> memref<10240xf32, #tpu.memory_space<vmem_shared>>
      tpu.enqueue_indirect_dma source(%arg11 : memref<128xf32, #tpu.memory_space<vmem>>) target(%dma_start3A_298 : memref<10240xf32, #tpu.memory_space<vmem_shared>>) offsets(%dma_start3A_296 : memref<128xi32, #tpu.memory_space<vmem>>) semaphore(%arg20 : memref<!tpu.dma_semaphore, #tpu.memory_space<semaphore_mem>>) {add = true}
      %while3A_299 = arith.constant 0 : i32
      scf.yield %while3A_299 : i32
    }
    %add3A_92 = arith.constant 80 : i32
    %add3A_93 = arith.addi %add3A_92, %select_n3A : i32
    %while3A_94 = arith.constant 0 : i32
    %while3A_95 = arith.constant 0 : i32
    %while3A_96 = arith.subi %add3A_93, %while3A_94 : i32
    %while3A_97 = arith.addi %while3A_94, %while3A_96 : i32
    %while3A_98 = arith.constant 1 : i32
    %while3A_99 = arith.divsi %while3A_96, %while3A_98 : i32
    %while3A_100 = arith.muli %while3A_99, %while3A_98 : i32
    %while3A_101 = arith.addi %while3A_94, %while3A_100 : i32
    %while3A_102 = arith.constant 1 : i32
    %while3A_103 = scf.for %while3A_292 = %while3A_94 to %while3A_101 step %while3A_102 iter_args(%while3A_293 = %while3A_95) -> (i32)  : i32 {
      %dma_wait3A_294 = arith.constant 0 : i32
      %dma_wait3A_295 = arith.constant 0 : i32
      %dma_wait3A_296 = tpu.memref_slice %arg7[%dma_wait3A_294, %dma_wait3A_295] : memref<80x128xi32, #tpu.memory_space<vmem>> -> memref<1x128xi32, #tpu.memory_space<vmem>>
      %dma_wait3A_297 = tpu.memref_squeeze %dma_wait3A_296 : memref<1x128xi32, #tpu.memory_space<vmem>> -> memref<128xi32, #tpu.memory_space<vmem>>
      %dma_wait3A_298 = arith.constant 0 : i32
      %dma_wait3A_299 = tpu.memref_slice %arg17[%dma_wait3A_298] : memref<10240xf32, #tpu.memory_space<vmem_shared>> -> memref<10240xf32, #tpu.memory_space<vmem_shared>>
      tpu.wait_indirect_dma semaphore(%arg20 : memref<!tpu.dma_semaphore, #tpu.memory_space<semaphore_mem>>) src(%arg11 : memref<128xf32, #tpu.memory_space<vmem>>) dst(%dma_wait3A_299 : memref<10240xf32, #tpu.memory_space<vmem_shared>>)
      %while3A_300 = arith.constant 0 : i32
      scf.yield %while3A_300 : i32
    }
    %while3A_104 = arith.constant 1 : i32
    %while3A_105 = scf.for %while3A_292 = %while3A_101 to %while3A_97 step %while3A_104 iter_args(%while3A_293 = %while3A_103) -> (i32)  : i32 {
      %dma_wait3A_294 = arith.constant 0 : i32
      %dma_wait3A_295 = arith.constant 0 : i32
      %dma_wait3A_296 = tpu.memref_slice %arg7[%dma_wait3A_294, %dma_wait3A_295] : memref<80x128xi32, #tpu.memory_space<vmem>> -> memref<1x128xi32, #tpu.memory_space<vmem>>
      %dma_wait3A_297 = tpu.memref_squeeze %dma_wait3A_296 : memref<1x128xi32, #tpu.memory_space<vmem>> -> memref<128xi32, #tpu.memory_space<vmem>>
      %dma_wait3A_298 = arith.constant 0 : i32
      %dma_wait3A_299 = tpu.memref_slice %arg17[%dma_wait3A_298] : memref<10240xf32, #tpu.memory_space<vmem_shared>> -> memref<10240xf32, #tpu.memory_space<vmem_shared>>
      tpu.wait_indirect_dma semaphore(%arg20 : memref<!tpu.dma_semaphore, #tpu.memory_space<semaphore_mem>>) src(%arg11 : memref<128xf32, #tpu.memory_space<vmem>>) dst(%dma_wait3A_299 : memref<10240xf32, #tpu.memory_space<vmem_shared>>)
      %while3A_300 = arith.constant 0 : i32
      scf.yield %while3A_300 : i32
    }
    %barrier3A_106 = arith.constant 0 : index
    tpu.barrier barrier_id(%barrier3A_106)
    %mul3A_107 = arith.constant 640 : i32
    %mul3A_108 = arith.muli %arg1, %mul3A_107 : i32
    "tpu.region"() ({
      %run_scoped3A = tpu.sem_alloc : memref<!tpu.dma_semaphore, #tpu.memory_space<semaphore_mem>>
      %dma_start3A_292 = tpu.memref_slice %arg17[%mul3A_108] : memref<10240xf32, #tpu.memory_space<vmem_shared>> -> memref<640xf32, #tpu.memory_space<vmem_shared>>
      %dma_start3A_293 = tpu.memref_slice %arg17[%mul3A_108] : memref<10240xf32, #tpu.memory_space<vmem_shared>> -> memref<640xf32, #tpu.memory_space<vmem_shared>>
      tpu.enqueue_dma source(%dma_start3A_293 : memref<640xf32, #tpu.memory_space<vmem_shared>>) target(%arg13 : memref<640xf32, #tpu.memory_space<vmem>>) target_semaphore(%run_scoped3A : memref<!tpu.dma_semaphore, #tpu.memory_space<semaphore_mem>>)
      %dma_wait3A_294 = tpu.memref_slice %arg17[%mul3A_108] : memref<10240xf32, #tpu.memory_space<vmem_shared>> -> memref<640xf32, #tpu.memory_space<vmem_shared>>
      %dma_wait3A_295 = tpu.memref_slice %arg17[%mul3A_108] : memref<10240xf32, #tpu.memory_space<vmem_shared>> -> memref<640xf32, #tpu.memory_space<vmem_shared>>
      tpu.wait_dma2 semaphore(%run_scoped3A : memref<!tpu.dma_semaphore, #tpu.memory_space<semaphore_mem>>) src(%dma_wait3A_295 : memref<640xf32, #tpu.memory_space<vmem_shared>>) dst(%arg13 : memref<640xf32, #tpu.memory_space<vmem>>)
      tpu.yield
    }) : () -> ()
    %scan3A_109 = arith.constant 0 : i32
    %scan3A_110 = arith.constant 0 : i32
    %scan3A_111 = arith.constant 40 : i32
    %scan3A_112 = arith.addi %scan3A_110, %scan3A_111 : i32
    %scan3A_113 = arith.constant 1 : i32
    %scan3A_114 = scf.for %scan3A_292 = %scan3A_110 to %scan3A_112 step %scan3A_113 iter_args(%scan3A_293 = %scan3A_109) -> (i32)  : i32 {
      %mul3A_294 = arith.constant 16 : i32
      %mul3A_295 = arith.muli %scan3A_292, %mul3A_294 : i32
      %get3A = arith.index_cast %mul3A_295 : i32 to index
      %get3A_296 = tpu.vector_load %arg13[%get3A] {strides = array<i32>} : memref<640xf32, #tpu.memory_space<vmem>>, vector<16xf32>,
      %add3A_297 = arith.constant 1.000000e+00 : f32
      %add3A_298 = vector.broadcast %add3A_297 : f32 to vector<16xf32>
      %add3A_299 = arith.addf %get3A_296, %add3A_298 : vector<16xf32>
      %bitcast3A = vector.bitcast %add3A_299 : vector<16xf32> to vector<16xi32>
      %shift_right_logical3A = arith.constant 1 : i32
      %shift_right_logical3A_300 = vector.broadcast %shift_right_logical3A : i32 to vector<16xi32>
      %shift_right_logical3A_301 = arith.shrui %bitcast3A, %shift_right_logical3A_300 : vector<16xi32>
      %sub3A = arith.constant 1597463007 : i32
      %sub3A_302 = vector.broadcast %sub3A : i32 to vector<16xi32>
      %sub3A_303 = arith.subi %sub3A_302, %shift_right_logical3A_301 : vector<16xi32>
      %bitcast3A_304 = vector.bitcast %sub3A_303 : vector<16xi32> to vector<16xf32>
      %mul3A_305 = arith.constant 5.000000e-01 : f32
      %mul3A_306 = vector.broadcast %mul3A_305 : f32 to vector<16xf32>
      %mul3A_307 = arith.mulf %mul3A_306, %add3A_299 : vector<16xf32>
      %mul3A_308 = arith.mulf %mul3A_307, %bitcast3A_304 : vector<16xf32>
      %mul3A_309 = arith.mulf %mul3A_308, %bitcast3A_304 : vector<16xf32>
      %sub3A_310 = arith.constant 1.500000e+00 : f32
      %sub3A_311 = vector.broadcast %sub3A_310 : f32 to vector<16xf32>
      %sub3A_312 = arith.subf %sub3A_311, %mul3A_309 : vector<16xf32>
      %mul3A_313 = arith.mulf %bitcast3A_304, %sub3A_312 : vector<16xf32>
      %mul3A_314 = arith.constant 5.000000e-01 : f32
      %mul3A_315 = vector.broadcast %mul3A_314 : f32 to vector<16xf32>
      %mul3A_316 = arith.mulf %mul3A_315, %add3A_299 : vector<16xf32>
      %mul3A_317 = arith.mulf %mul3A_316, %mul3A_313 : vector<16xf32>
      %mul3A_318 = arith.mulf %mul3A_317, %mul3A_313 : vector<16xf32>
      %sub3A_319 = arith.constant 1.500000e+00 : f32
      %sub3A_320 = vector.broadcast %sub3A_319 : f32 to vector<16xf32>
      %sub3A_321 = arith.subf %sub3A_320, %mul3A_318 : vector<16xf32>
      %mul3A_322 = arith.mulf %mul3A_313, %sub3A_321 : vector<16xf32>
      %mul3A_323 = arith.constant 5.000000e-01 : f32
      %mul3A_324 = vector.broadcast %mul3A_323 : f32 to vector<16xf32>
      %mul3A_325 = arith.mulf %mul3A_324, %add3A_299 : vector<16xf32>
      %mul3A_326 = arith.mulf %mul3A_325, %mul3A_322 : vector<16xf32>
      %mul3A_327 = arith.mulf %mul3A_326, %mul3A_322 : vector<16xf32>
      %sub3A_328 = arith.constant 1.500000e+00 : f32
      %sub3A_329 = vector.broadcast %sub3A_328 : f32 to vector<16xf32>
      %sub3A_330 = arith.subf %sub3A_329, %mul3A_327 : vector<16xf32>
      %mul3A_331 = arith.mulf %mul3A_322, %sub3A_330 : vector<16xf32>
      %mul3A_332 = arith.constant 16 : i32
      %mul3A_333 = arith.muli %scan3A_292, %mul3A_332 : i32
      %swap3A = arith.index_cast %mul3A_333 : i32 to index
      %swap3A_334 = tpu.vector_load %arg14[%swap3A] {strides = array<i32>} : memref<640xf32, #tpu.memory_space<vmem>>, vector<16xf32>,
      tpu.vector_store %arg14[%swap3A], %mul3A_331 {strides = array<i32>} : memref<640xf32, #tpu.memory_space<vmem>>, vector<16xf32>,
      %scan3A_335 = arith.constant 0 : i32
      scf.yield %scan3A_335 : i32
    }
    %scan3A_115 = arith.constant 40 : i32
    %eq3A_116 = arith.constant 0 : i32
    %eq3A_117 = arith.cmpi eq, %arg0, %eq3A_116 : i32
    %convert_element_type3A = arith.extui %eq3A_117 : i1 to i32
    %cond3A = arith.constant 0 : i32
    %cond3A_118 = arith.cmpi ne, %convert_element_type3A, %cond3A : i32
    scf.if %cond3A_118 {
      %mul3A_292 = arith.constant 640 : i32
      %mul3A_293 = arith.muli %arg1, %mul3A_292 : i32
      %dma_start3A_294 = tpu.memref_slice %arg5[%mul3A_293] : memref<10240xf32, #tpu.memory_space<hbm>> -> memref<640xf32, #tpu.memory_space<hbm>>
      %dma_start3A_295 = tpu.memref_slice %arg5[%mul3A_293] : memref<10240xf32, #tpu.memory_space<hbm>> -> memref<640xf32, #tpu.memory_space<hbm>>
      tpu.enqueue_dma source(%arg14 : memref<640xf32, #tpu.memory_space<vmem>>) target(%dma_start3A_295 : memref<640xf32, #tpu.memory_space<hbm>>) target_semaphore(%arg20 : memref<!tpu.dma_semaphore, #tpu.memory_space<semaphore_mem>>)
    } else {
    }
    %mul3A_119 = arith.constant 640 : i32
    %mul3A_120 = arith.muli %arg1, %mul3A_119 : i32
    %dma_wait3A = arith.constant 0 : i32
    %dma_wait3A_121 = tpu.memref_slice %arg2[%mul3A_120, %dma_wait3A] : memref<10240x32xf32, #tpu.memory_space<hbm>> -> memref<640x32xf32, #tpu.memory_space<hbm>>
    %dma_wait3A_122 = arith.constant 0 : i32
    %dma_wait3A_123 = tpu.memref_slice %arg2[%mul3A_120, %dma_wait3A_122] : memref<10240x32xf32, #tpu.memory_space<hbm>> -> memref<640x32xf32, #tpu.memory_space<hbm>>
    tpu.wait_dma2 semaphore(%arg21 : memref<!tpu.dma_semaphore, #tpu.memory_space<semaphore_mem>>) src(%dma_wait3A_123 : memref<640x32xf32, #tpu.memory_space<hbm>>) dst(%arg15 : memref<640x32xf32, #tpu.memory_space<vmem>>)
    %eq3A_124 = arith.constant 0 : i32
    %eq3A_125 = arith.cmpi eq, %arg0, %eq3A_124 : i32
    %convert_element_type3A_126 = arith.extui %eq3A_125 : i1 to i32
    %cond3A_127 = arith.constant 0 : i32
    %cond3A_128 = arith.cmpi ne, %convert_element_type3A_126, %cond3A_127 : i32
    scf.if %cond3A_128 {
      %mul3A_292 = arith.constant 640 : i32
      %mul3A_293 = arith.muli %arg1, %mul3A_292 : i32
      %dma_wait3A_294 = tpu.memref_slice %arg5[%mul3A_293] : memref<10240xf32, #tpu.memory_space<hbm>> -> memref<640xf32, #tpu.memory_space<hbm>>
      %dma_wait3A_295 = tpu.memref_slice %arg5[%mul3A_293] : memref<10240xf32, #tpu.memory_space<hbm>> -> memref<640xf32, #tpu.memory_space<hbm>>
      tpu.wait_dma2 semaphore(%arg20 : memref<!tpu.dma_semaphore, #tpu.memory_space<semaphore_mem>>) src(%arg14 : memref<640xf32, #tpu.memory_space<vmem>>) dst(%dma_wait3A_295 : memref<640xf32, #tpu.memory_space<hbm>>)
    } else {
    }
    %scan3A_129 = arith.constant 0 : i32
    %scan3A_130 = arith.constant 0 : i32
    %scan3A_131 = arith.constant 1280 : i32
    %scan3A_132 = arith.addi %scan3A_130, %scan3A_131 : i32
    %scan3A_133 = arith.constant 1 : i32
    %scan3A_134 = scf.for %scan3A_292 = %scan3A_130 to %scan3A_132 step %scan3A_133 iter_args(%scan3A_293 = %scan3A_129) -> (i32)  : i32 {
      %jit3A_294 = arith.constant 2 : i32
      %div3A = arith.divsi %scan3A_292, %jit3A_294 : i32
      %sign3A = arith.constant 0 : i32
      %sign3A_295 = arith.cmpi sgt, %scan3A_292, %sign3A : i32
      %sign3A_296 = arith.extui %sign3A_295 : i1 to i32
      %sign3A_297 = arith.constant 0 : i32
      %sign3A_298 = arith.cmpi slt, %scan3A_292, %sign3A_297 : i32
      %sign3A_299 = arith.extui %sign3A_298 : i1 to i32
      %sign3A_300 = arith.subi %sign3A_296, %sign3A_299 : i32
      %sign3A_301 = arith.constant 0 : i32
      %sign3A_302 = arith.cmpi sgt, %jit3A_294, %sign3A_301 : i32
      %sign3A_303 = arith.extui %sign3A_302 : i1 to i32
      %sign3A_304 = arith.constant 0 : i32
      %sign3A_305 = arith.cmpi slt, %jit3A_294, %sign3A_304 : i32
      %sign3A_306 = arith.extui %sign3A_305 : i1 to i32
      %sign3A_307 = arith.subi %sign3A_303, %sign3A_306 : i32
      %ne3A_308 = arith.cmpi ne, %sign3A_300, %sign3A_307 : i32
      %rem3A = arith.remsi %scan3A_292, %jit3A_294 : i32
      %ne3A_309 = arith.constant 0 : i32
      %ne3A_310 = arith.cmpi ne, %rem3A, %ne3A_309 : i32
      %and3A = arith.andi %ne3A_308, %ne3A_310 : i1
      %sub3A = arith.constant 1 : i32
      %sub3A_311 = arith.subi %div3A, %sub3A : i32
      %select_n3A_312 = arith.select %and3A, %sub3A_311, %div3A : i32
      %broadcast_in_dim3A = vector.broadcast %select_n3A_312 : i32 to vector<16xi32>
      %gather3A = tpu.vector_load_idx %arg14[%broadcast_in_dim3A] : memref<640xf32, #tpu.memory_space<vmem>>[vector<16xi32>], vector<16xf32>,
      %jit3A_313 = arith.constant 2 : i32
      %div3A_314 = arith.divsi %scan3A_292, %jit3A_313 : i32
      %sign3A_315 = arith.constant 0 : i32
      %sign3A_316 = arith.cmpi sgt, %scan3A_292, %sign3A_315 : i32
      %sign3A_317 = arith.extui %sign3A_316 : i1 to i32
      %sign3A_318 = arith.constant 0 : i32
      %sign3A_319 = arith.cmpi slt, %scan3A_292, %sign3A_318 : i32
      %sign3A_320 = arith.extui %sign3A_319 : i1 to i32
      %sign3A_321 = arith.subi %sign3A_317, %sign3A_320 : i32
      %sign3A_322 = arith.constant 0 : i32
      %sign3A_323 = arith.cmpi sgt, %jit3A_313, %sign3A_322 : i32
      %sign3A_324 = arith.extui %sign3A_323 : i1 to i32
      %sign3A_325 = arith.constant 0 : i32
      %sign3A_326 = arith.cmpi slt, %jit3A_313, %sign3A_325 : i32
      %sign3A_327 = arith.extui %sign3A_326 : i1 to i32
      %sign3A_328 = arith.subi %sign3A_324, %sign3A_327 : i32
      %ne3A_329 = arith.cmpi ne, %sign3A_321, %sign3A_328 : i32
      %rem3A_330 = arith.remsi %scan3A_292, %jit3A_313 : i32
      %ne3A_331 = arith.constant 0 : i32
      %ne3A_332 = arith.cmpi ne, %rem3A_330, %ne3A_331 : i32
      %and3A_333 = arith.andi %ne3A_329, %ne3A_332 : i1
      %sub3A_334 = arith.constant 1 : i32
      %sub3A_335 = arith.subi %div3A_314, %sub3A_334 : i32
      %select_n3A_336 = arith.select %and3A_333, %sub3A_335, %div3A_314 : i32
      %jit3A_337 = arith.constant 2 : i32
      %eq3A_338 = arith.constant 0 : i32
      %eq3A_339 = arith.cmpi eq, %jit3A_337, %eq3A_338 : i32
      %jit3A_340 = arith.constant 1 : i32
      %select_n3A_341 = arith.select %eq3A_339, %jit3A_340, %jit3A_337 : i32
      %rem3A_342 = arith.remsi %scan3A_292, %select_n3A_341 : i32
      %ne3A_343 = arith.constant 0 : i32
      %ne3A_344 = arith.cmpi ne, %rem3A_342, %ne3A_343 : i32
      %lt3A = arith.constant 0 : i32
      %lt3A_345 = arith.cmpi slt, %rem3A_342, %lt3A : i32
      %lt3A_346 = arith.constant 0 : i32
      %lt3A_347 = arith.cmpi slt, %select_n3A_341, %lt3A_346 : i32
      %ne3A_348 = arith.xori %lt3A_345, %lt3A_347 : i1
      %and3A_349 = arith.andi %ne3A_348, %ne3A_344 : i1
      %add3A_350 = arith.addi %rem3A_342, %select_n3A_341 : i32
      %select_n3A_351 = arith.select %and3A_349, %add3A_350, %rem3A_342 : i32
      %mul3A_352 = arith.constant 16 : i32
      %mul3A_353 = arith.muli %select_n3A_351, %mul3A_352 : i32
      %get3A = arith.index_cast %select_n3A_336 : i32 to index
      %get3A_354 = arith.index_cast %mul3A_353 : i32 to index
      %get3A_355 = tpu.vector_load %arg15[%get3A, %get3A_354] {strides = array<i32>} : memref<640x32xf32, #tpu.memory_space<vmem>>, vector<16xf32>,
      %mul3A_356 = arith.mulf %get3A_355, %gather3A : vector<16xf32>
      %jit3A_357 = arith.constant 2 : i32
      %div3A_358 = arith.divsi %scan3A_292, %jit3A_357 : i32
      %sign3A_359 = arith.constant 0 : i32
      %sign3A_360 = arith.cmpi sgt, %scan3A_292, %sign3A_359 : i32
      %sign3A_361 = arith.extui %sign3A_360 : i1 to i32
      %sign3A_362 = arith.constant 0 : i32
      %sign3A_363 = arith.cmpi slt, %scan3A_292, %sign3A_362 : i32
      %sign3A_364 = arith.extui %sign3A_363 : i1 to i32
      %sign3A_365 = arith.subi %sign3A_361, %sign3A_364 : i32
      %sign3A_366 = arith.constant 0 : i32
      %sign3A_367 = arith.cmpi sgt, %jit3A_357, %sign3A_366 : i32
      %sign3A_368 = arith.extui %sign3A_367 : i1 to i32
      %sign3A_369 = arith.constant 0 : i32
      %sign3A_370 = arith.cmpi slt, %jit3A_357, %sign3A_369 : i32
      %sign3A_371 = arith.extui %sign3A_370 : i1 to i32
      %sign3A_372 = arith.subi %sign3A_368, %sign3A_371 : i32
      %ne3A_373 = arith.cmpi ne, %sign3A_365, %sign3A_372 : i32
      %rem3A_374 = arith.remsi %scan3A_292, %jit3A_357 : i32
      %ne3A_375 = arith.constant 0 : i32
      %ne3A_376 = arith.cmpi ne, %rem3A_374, %ne3A_375 : i32
      %and3A_377 = arith.andi %ne3A_373, %ne3A_376 : i1
      %sub3A_378 = arith.constant 1 : i32
      %sub3A_379 = arith.subi %div3A_358, %sub3A_378 : i32
      %select_n3A_380 = arith.select %and3A_377, %sub3A_379, %div3A_358 : i32
      %jit3A_381 = arith.constant 2 : i32
      %eq3A_382 = arith.constant 0 : i32
      %eq3A_383 = arith.cmpi eq, %jit3A_381, %eq3A_382 : i32
      %jit3A_384 = arith.constant 1 : i32
      %select_n3A_385 = arith.select %eq3A_383, %jit3A_384, %jit3A_381 : i32
      %rem3A_386 = arith.remsi %scan3A_292, %select_n3A_385 : i32
      %ne3A_387 = arith.constant 0 : i32
      %ne3A_388 = arith.cmpi ne, %rem3A_386, %ne3A_387 : i32
      %lt3A_389 = arith.constant 0 : i32
      %lt3A_390 = arith.cmpi slt, %rem3A_386, %lt3A_389 : i32
      %lt3A_391 = arith.constant 0 : i32
      %lt3A_392 = arith.cmpi slt, %select_n3A_385, %lt3A_391 : i32
      %ne3A_393 = arith.xori %lt3A_390, %lt3A_392 : i1
      %and3A_394 = arith.andi %ne3A_393, %ne3A_388 : i1
      %add3A_395 = arith.addi %rem3A_386, %select_n3A_385 : i32
      %select_n3A_396 = arith.select %and3A_394, %add3A_395, %rem3A_386 : i32
      %mul3A_397 = arith.constant 16 : i32
      %mul3A_398 = arith.muli %select_n3A_396, %mul3A_397 : i32
      %swap3A = arith.index_cast %select_n3A_380 : i32 to index
      %swap3A_399 = arith.index_cast %mul3A_398 : i32 to index
      %swap3A_400 = tpu.vector_load %arg9[%swap3A, %swap3A_399] {strides = array<i32>} : memref<1024x32xf32, #tpu.memory_space<vmem>>, vector<16xf32>,
      tpu.vector_store %arg9[%swap3A, %swap3A_399], %mul3A_356 {strides = array<i32>} : memref<1024x32xf32, #tpu.memory_space<vmem>>, vector<16xf32>,
      %scan3A_401 = arith.constant 0 : i32
      scf.yield %scan3A_401 : i32
    }
    %scan3A_135 = arith.constant 1280 : i32
    %mul3A_136 = arith.constant 640 : i32
    %mul3A_137 = arith.muli %arg1, %mul3A_136 : i32
    "tpu.region"() ({
      %run_scoped3A = tpu.sem_alloc : memref<!tpu.dma_semaphore, #tpu.memory_space<semaphore_mem>>
      %dma_start3A_292 = arith.constant 0 : i32
      %dma_start3A_293 = arith.constant 0 : i32
      %dma_start3A_294 = tpu.memref_slice %arg9[%dma_start3A_292, %dma_start3A_293] : memref<1024x32xf32, #tpu.memory_space<vmem>> -> memref<640x32xf32, #tpu.memory_space<vmem>>
      %dma_start3A_295 = arith.constant 0 : i32
      %dma_start3A_296 = arith.constant 0 : i32
      %dma_start3A_297 = tpu.memref_slice %arg6[%arg0, %dma_start3A_295, %dma_start3A_296] : memref<2x10240x32xf32, #tpu.memory_space<hbm>> -> memref<1x10240x32xf32, #tpu.memory_space<hbm>>
      %dma_start3A_298 = tpu.memref_squeeze %dma_start3A_297 : memref<1x10240x32xf32, #tpu.memory_space<hbm>> -> memref<10240x32xf32, #tpu.memory_space<hbm>>
      %dma_start3A_299 = arith.constant 0 : i32
      %dma_start3A_300 = tpu.memref_slice %dma_start3A_298[%mul3A_137, %dma_start3A_299] : memref<10240x32xf32, #tpu.memory_space<hbm>> -> memref<640x32xf32, #tpu.memory_space<hbm>>
      %dma_start3A_301 = arith.constant 0 : i32
      %dma_start3A_302 = arith.constant 0 : i32
      %dma_start3A_303 = tpu.memref_slice %arg6[%arg0, %dma_start3A_301, %dma_start3A_302] : memref<2x10240x32xf32, #tpu.memory_space<hbm>> -> memref<1x10240x32xf32, #tpu.memory_space<hbm>>
      %dma_start3A_304 = tpu.memref_squeeze %dma_start3A_303 : memref<1x10240x32xf32, #tpu.memory_space<hbm>> -> memref<10240x32xf32, #tpu.memory_space<hbm>>
      %dma_start3A_305 = arith.constant 0 : i32
      %dma_start3A_306 = tpu.memref_slice %dma_start3A_304[%mul3A_137, %dma_start3A_305] : memref<10240x32xf32, #tpu.memory_space<hbm>> -> memref<640x32xf32, #tpu.memory_space<hbm>>
      %dma_start3A_307 = arith.constant 0 : i32
      %dma_start3A_308 = arith.constant 0 : i32
      %dma_start3A_309 = tpu.memref_slice %arg9[%dma_start3A_307, %dma_start3A_308] : memref<1024x32xf32, #tpu.memory_space<vmem>> -> memref<640x32xf32, #tpu.memory_space<vmem>>
      tpu.enqueue_dma source(%dma_start3A_309 : memref<640x32xf32, #tpu.memory_space<vmem>>) target(%dma_start3A_306 : memref<640x32xf32, #tpu.memory_space<hbm>>) target_semaphore(%run_scoped3A : memref<!tpu.dma_semaphore, #tpu.memory_space<semaphore_mem>>)
      %dma_wait3A_310 = arith.constant 0 : i32
      %dma_wait3A_311 = arith.constant 0 : i32
      %dma_wait3A_312 = tpu.memref_slice %arg9[%dma_wait3A_310, %dma_wait3A_311] : memref<1024x32xf32, #tpu.memory_space<vmem>> -> memref<640x32xf32, #tpu.memory_space<vmem>>
      %dma_wait3A_313 = arith.constant 0 : i32
      %dma_wait3A_314 = arith.constant 0 : i32
      %dma_wait3A_315 = tpu.memref_slice %arg6[%arg0, %dma_wait3A_313, %dma_wait3A_314] : memref<2x10240x32xf32, #tpu.memory_space<hbm>> -> memref<1x10240x32xf32, #tpu.memory_space<hbm>>
      %dma_wait3A_316 = tpu.memref_squeeze %dma_wait3A_315 : memref<1x10240x32xf32, #tpu.memory_space<hbm>> -> memref<10240x32xf32, #tpu.memory_space<hbm>>
      %dma_wait3A_317 = arith.constant 0 : i32
      %dma_wait3A_318 = tpu.memref_slice %dma_wait3A_316[%mul3A_137, %dma_wait3A_317] : memref<10240x32xf32, #tpu.memory_space<hbm>> -> memref<640x32xf32, #tpu.memory_space<hbm>>
      %dma_wait3A_319 = arith.constant 0 : i32
      %dma_wait3A_320 = arith.constant 0 : i32
      %dma_wait3A_321 = tpu.memref_slice %arg6[%arg0, %dma_wait3A_319, %dma_wait3A_320] : memref<2x10240x32xf32, #tpu.memory_space<hbm>> -> memref<1x10240x32xf32, #tpu.memory_space<hbm>>
      %dma_wait3A_322 = tpu.memref_squeeze %dma_wait3A_321 : memref<1x10240x32xf32, #tpu.memory_space<hbm>> -> memref<10240x32xf32, #tpu.memory_space<hbm>>
      %dma_wait3A_323 = arith.constant 0 : i32
      %dma_wait3A_324 = tpu.memref_slice %dma_wait3A_322[%mul3A_137, %dma_wait3A_323] : memref<10240x32xf32, #tpu.memory_space<hbm>> -> memref<640x32xf32, #tpu.memory_space<hbm>>
      %dma_wait3A_325 = arith.constant 0 : i32
      %dma_wait3A_326 = arith.constant 0 : i32
      %dma_wait3A_327 = tpu.memref_slice %arg9[%dma_wait3A_325, %dma_wait3A_326] : memref<1024x32xf32, #tpu.memory_space<vmem>> -> memref<640x32xf32, #tpu.memory_space<vmem>>
      tpu.wait_dma2 semaphore(%run_scoped3A : memref<!tpu.dma_semaphore, #tpu.memory_space<semaphore_mem>>) src(%dma_wait3A_327 : memref<640x32xf32, #tpu.memory_space<vmem>>) dst(%dma_wait3A_324 : memref<640x32xf32, #tpu.memory_space<hbm>>)
      tpu.yield
    }) : () -> ()
    %eq3A_138 = arith.constant 0 : i32
    %eq3A_139 = arith.cmpi eq, %arg0, %eq3A_138 : i32
    %convert_element_type3A_140 = arith.extui %eq3A_139 : i1 to i32
    %cond3A_141 = arith.constant 0 : i32
    %cond3A_142 = arith.cmpi ne, %convert_element_type3A_140, %cond3A_141 : i32
    scf.if %cond3A_142 {
      %scan3A_292 = arith.constant 0 : i32
      %scan3A_293 = arith.constant 0 : i32
      %scan3A_294 = arith.constant 1280 : i32
      %scan3A_295 = arith.addi %scan3A_293, %scan3A_294 : i32
      %scan3A_296 = arith.constant 1 : i32
      %scan3A_297 = scf.for %scan3A_299 = %scan3A_293 to %scan3A_295 step %scan3A_296 iter_args(%scan3A_300 = %scan3A_292) -> (i32)  : i32 {
        %jit3A_301 = arith.constant 2 : i32
        %div3A = arith.divsi %scan3A_299, %jit3A_301 : i32
        %sign3A = arith.constant 0 : i32
        %sign3A_302 = arith.cmpi sgt, %scan3A_299, %sign3A : i32
        %sign3A_303 = arith.extui %sign3A_302 : i1 to i32
        %sign3A_304 = arith.constant 0 : i32
        %sign3A_305 = arith.cmpi slt, %scan3A_299, %sign3A_304 : i32
        %sign3A_306 = arith.extui %sign3A_305 : i1 to i32
        %sign3A_307 = arith.subi %sign3A_303, %sign3A_306 : i32
        %sign3A_308 = arith.constant 0 : i32
        %sign3A_309 = arith.cmpi sgt, %jit3A_301, %sign3A_308 : i32
        %sign3A_310 = arith.extui %sign3A_309 : i1 to i32
        %sign3A_311 = arith.constant 0 : i32
        %sign3A_312 = arith.cmpi slt, %jit3A_301, %sign3A_311 : i32
        %sign3A_313 = arith.extui %sign3A_312 : i1 to i32
        %sign3A_314 = arith.subi %sign3A_310, %sign3A_313 : i32
        %ne3A_315 = arith.cmpi ne, %sign3A_307, %sign3A_314 : i32
        %rem3A = arith.remsi %scan3A_299, %jit3A_301 : i32
        %ne3A_316 = arith.constant 0 : i32
        %ne3A_317 = arith.cmpi ne, %rem3A, %ne3A_316 : i32
        %and3A = arith.andi %ne3A_315, %ne3A_317 : i1
        %sub3A = arith.constant 1 : i32
        %sub3A_318 = arith.subi %div3A, %sub3A : i32
        %select_n3A_319 = arith.select %and3A, %sub3A_318, %div3A : i32
        %broadcast_in_dim3A = vector.broadcast %select_n3A_319 : i32 to vector<16xi32>
        %gather3A = tpu.vector_load_idx %arg14[%broadcast_in_dim3A] : memref<640xf32, #tpu.memory_space<vmem>>[vector<16xi32>], vector<16xf32>,
        %jit3A_320 = arith.constant 2 : i32
        %div3A_321 = arith.divsi %scan3A_299, %jit3A_320 : i32
        %sign3A_322 = arith.constant 0 : i32
        %sign3A_323 = arith.cmpi sgt, %scan3A_299, %sign3A_322 : i32
        %sign3A_324 = arith.extui %sign3A_323 : i1 to i32
        %sign3A_325 = arith.constant 0 : i32
        %sign3A_326 = arith.cmpi slt, %scan3A_299, %sign3A_325 : i32
        %sign3A_327 = arith.extui %sign3A_326 : i1 to i32
        %sign3A_328 = arith.subi %sign3A_324, %sign3A_327 : i32
        %sign3A_329 = arith.constant 0 : i32
        %sign3A_330 = arith.cmpi sgt, %jit3A_320, %sign3A_329 : i32
        %sign3A_331 = arith.extui %sign3A_330 : i1 to i32
        %sign3A_332 = arith.constant 0 : i32
        %sign3A_333 = arith.cmpi slt, %jit3A_320, %sign3A_332 : i32
        %sign3A_334 = arith.extui %sign3A_333 : i1 to i32
        %sign3A_335 = arith.subi %sign3A_331, %sign3A_334 : i32
        %ne3A_336 = arith.cmpi ne, %sign3A_328, %sign3A_335 : i32
        %rem3A_337 = arith.remsi %scan3A_299, %jit3A_320 : i32
        %ne3A_338 = arith.constant 0 : i32
        %ne3A_339 = arith.cmpi ne, %rem3A_337, %ne3A_338 : i32
        %and3A_340 = arith.andi %ne3A_336, %ne3A_339 : i1
        %sub3A_341 = arith.constant 1 : i32
        %sub3A_342 = arith.subi %div3A_321, %sub3A_341 : i32
        %select_n3A_343 = arith.select %and3A_340, %sub3A_342, %div3A_321 : i32
        %jit3A_344 = arith.constant 2 : i32
        %eq3A_345 = arith.constant 0 : i32
        %eq3A_346 = arith.cmpi eq, %jit3A_344, %eq3A_345 : i32
        %jit3A_347 = arith.constant 1 : i32
        %select_n3A_348 = arith.select %eq3A_346, %jit3A_347, %jit3A_344 : i32
        %rem3A_349 = arith.remsi %scan3A_299, %select_n3A_348 : i32
        %ne3A_350 = arith.constant 0 : i32
        %ne3A_351 = arith.cmpi ne, %rem3A_349, %ne3A_350 : i32
        %lt3A = arith.constant 0 : i32
        %lt3A_352 = arith.cmpi slt, %rem3A_349, %lt3A : i32
        %lt3A_353 = arith.constant 0 : i32
        %lt3A_354 = arith.cmpi slt, %select_n3A_348, %lt3A_353 : i32
        %ne3A_355 = arith.xori %lt3A_352, %lt3A_354 : i1
        %and3A_356 = arith.andi %ne3A_355, %ne3A_351 : i1
        %add3A_357 = arith.addi %rem3A_349, %select_n3A_348 : i32
        %select_n3A_358 = arith.select %and3A_356, %add3A_357, %rem3A_349 : i32
        %mul3A_359 = arith.constant 16 : i32
        %mul3A_360 = arith.muli %select_n3A_358, %mul3A_359 : i32
        %get3A = arith.index_cast %select_n3A_343 : i32 to index
        %get3A_361 = arith.index_cast %mul3A_360 : i32 to index
        %get3A_362 = tpu.vector_load %arg9[%get3A, %get3A_361] {strides = array<i32>} : memref<1024x32xf32, #tpu.memory_space<vmem>>, vector<16xf32>,
        %mul3A_363 = arith.mulf %get3A_362, %gather3A : vector<16xf32>
        %jit3A_364 = arith.constant 8 : i32
        %div3A_365 = arith.divsi %scan3A_299, %jit3A_364 : i32
        %sign3A_366 = arith.constant 0 : i32
        %sign3A_367 = arith.cmpi sgt, %scan3A_299, %sign3A_366 : i32
        %sign3A_368 = arith.extui %sign3A_367 : i1 to i32
        %sign3A_369 = arith.constant 0 : i32
        %sign3A_370 = arith.cmpi slt, %scan3A_299, %sign3A_369 : i32
        %sign3A_371 = arith.extui %sign3A_370 : i1 to i32
        %sign3A_372 = arith.subi %sign3A_368, %sign3A_371 : i32
        %sign3A_373 = arith.constant 0 : i32
        %sign3A_374 = arith.cmpi sgt, %jit3A_364, %sign3A_373 : i32
        %sign3A_375 = arith.extui %sign3A_374 : i1 to i32
        %sign3A_376 = arith.constant 0 : i32
        %sign3A_377 = arith.cmpi slt, %jit3A_364, %sign3A_376 : i32
        %sign3A_378 = arith.extui %sign3A_377 : i1 to i32
        %sign3A_379 = arith.subi %sign3A_375, %sign3A_378 : i32
        %ne3A_380 = arith.cmpi ne, %sign3A_372, %sign3A_379 : i32
        %rem3A_381 = arith.remsi %scan3A_299, %jit3A_364 : i32
        %ne3A_382 = arith.constant 0 : i32
        %ne3A_383 = arith.cmpi ne, %rem3A_381, %ne3A_382 : i32
        %and3A_384 = arith.andi %ne3A_380, %ne3A_383 : i1
        %sub3A_385 = arith.constant 1 : i32
        %sub3A_386 = arith.subi %div3A_365, %sub3A_385 : i32
        %select_n3A_387 = arith.select %and3A_384, %sub3A_386, %div3A_365 : i32
        %jit3A_388 = arith.constant 8 : i32
        %eq3A_389 = arith.constant 0 : i32
        %eq3A_390 = arith.cmpi eq, %jit3A_388, %eq3A_389 : i32
        %jit3A_391 = arith.constant 1 : i32
        %select_n3A_392 = arith.select %eq3A_390, %jit3A_391, %jit3A_388 : i32
        %rem3A_393 = arith.remsi %scan3A_299, %select_n3A_392 : i32
        %ne3A_394 = arith.constant 0 : i32
        %ne3A_395 = arith.cmpi ne, %rem3A_393, %ne3A_394 : i32
        %lt3A_396 = arith.constant 0 : i32
        %lt3A_397 = arith.cmpi slt, %rem3A_393, %lt3A_396 : i32
        %lt3A_398 = arith.constant 0 : i32
        %lt3A_399 = arith.cmpi slt, %select_n3A_392, %lt3A_398 : i32
        %ne3A_400 = arith.xori %lt3A_397, %lt3A_399 : i1
        %and3A_401 = arith.andi %ne3A_400, %ne3A_395 : i1
        %add3A_402 = arith.addi %rem3A_393, %select_n3A_392 : i32
        %select_n3A_403 = arith.select %and3A_401, %add3A_402, %rem3A_393 : i32
        %mul3A_404 = arith.constant 16 : i32
        %mul3A_405 = arith.muli %select_n3A_403, %mul3A_404 : i32
        %swap3A = arith.index_cast %select_n3A_387 : i32 to index
        %swap3A_406 = arith.index_cast %mul3A_405 : i32 to index
        %swap3A_407 = tpu.vector_load %arg16[%swap3A, %swap3A_406] {strides = array<i32>} : memref<160x128xf32, #tpu.memory_space<vmem>>, vector<16xf32>,
        tpu.vector_store %arg16[%swap3A, %swap3A_406], %mul3A_363 {strides = array<i32>} : memref<160x128xf32, #tpu.memory_space<vmem>>, vector<16xf32>,
        %scan3A_408 = arith.constant 0 : i32
        scf.yield %scan3A_408 : i32
      }
      %scan3A_298 = arith.constant 1280 : i32
    } else {
    }
    %barrier3A_143 = arith.constant 0 : index
    tpu.barrier barrier_id(%barrier3A_143)
    %mul3A_144 = arith.constant 10240 : i32
    %mul3A_145 = arith.muli %add3A, %mul3A_144 : i32
    %eq3A_146 = arith.constant 31 : i32
    %eq3A_147 = arith.cmpi eq, %add3A, %eq3A_146 : i32
    %jit3A_148 = arith.constant 20 : i32
    %jit3A_149 = arith.constant 80 : i32
    %select_n3A_150 = arith.select %eq3A_147, %jit3A_148, %jit3A_149 : i32
    %while3A_151 = arith.constant 0 : i32
    %while3A_152 = arith.constant 0 : i32
    %while3A_153 = arith.subi %select_n3A_150, %while3A_151 : i32
    %while3A_154 = arith.addi %while3A_151, %while3A_153 : i32
    %while3A_155 = arith.constant 1 : i32
    %while3A_156 = arith.divsi %while3A_153, %while3A_155 : i32
    %while3A_157 = arith.muli %while3A_156, %while3A_155 : i32
    %while3A_158 = arith.addi %while3A_151, %while3A_157 : i32
    %while3A_159 = arith.constant 1 : i32
    %while3A_160 = scf.for %while3A_292 = %while3A_151 to %while3A_158 step %while3A_159 iter_args(%while3A_293 = %while3A_152) -> (i32)  : i32 {
      %mul3A_294 = arith.constant 128 : i32
      %mul3A_295 = arith.muli %while3A_292, %mul3A_294 : i32
      %add3A_296 = arith.addi %mul3A_145, %mul3A_295 : i32
      %dma_start3A_297 = arith.constant 0 : i32
      %dma_start3A_298 = arith.constant 0 : i32
      %dma_start3A_299 = tpu.memref_slice %arg7[%while3A_292, %dma_start3A_298] : memref<80x128xi32, #tpu.memory_space<vmem>> -> memref<1x128xi32, #tpu.memory_space<vmem>>
      %dma_start3A_300 = tpu.memref_squeeze %dma_start3A_299 : memref<1x128xi32, #tpu.memory_space<vmem>> -> memref<128xi32, #tpu.memory_space<vmem>>
      %dma_start3A_301 = tpu.memref_slice %arg3[%dma_start3A_297, %add3A_296] : memref<2x320000xi32, #tpu.memory_space<hbm>> -> memref<1x128xi32, #tpu.memory_space<hbm>>
      %dma_start3A_302 = tpu.memref_squeeze %dma_start3A_301 : memref<1x128xi32, #tpu.memory_space<hbm>> -> memref<128xi32, #tpu.memory_space<hbm>>
      %dma_start3A_303 = arith.constant 0 : i32
      %dma_start3A_304 = tpu.memref_slice %arg7[%while3A_292, %dma_start3A_303] : memref<80x128xi32, #tpu.memory_space<vmem>> -> memref<1x128xi32, #tpu.memory_space<vmem>>
      %dma_start3A_305 = tpu.memref_squeeze %dma_start3A_304 : memref<1x128xi32, #tpu.memory_space<vmem>> -> memref<128xi32, #tpu.memory_space<vmem>>
      %dma_start3A_306 = tpu.memref_slice %arg3[%dma_start3A_297, %add3A_296] : memref<2x320000xi32, #tpu.memory_space<hbm>> -> memref<1x128xi32, #tpu.memory_space<hbm>>
      %dma_start3A_307 = tpu.memref_squeeze %dma_start3A_306 : memref<1x128xi32, #tpu.memory_space<hbm>> -> memref<128xi32, #tpu.memory_space<hbm>>
      tpu.enqueue_dma source(%dma_start3A_307 : memref<128xi32, #tpu.memory_space<hbm>>) target(%dma_start3A_305 : memref<128xi32, #tpu.memory_space<vmem>>) target_semaphore(%arg19 : memref<!tpu.dma_semaphore, #tpu.memory_space<semaphore_mem>>)
      %while3A_308 = arith.constant 0 : i32
      scf.yield %while3A_308 : i32
    }
    %while3A_161 = arith.constant 1 : i32
    %while3A_162 = scf.for %while3A_292 = %while3A_158 to %while3A_154 step %while3A_161 iter_args(%while3A_293 = %while3A_160) -> (i32)  : i32 {
      %mul3A_294 = arith.constant 128 : i32
      %mul3A_295 = arith.muli %while3A_292, %mul3A_294 : i32
      %add3A_296 = arith.addi %mul3A_145, %mul3A_295 : i32
      %dma_start3A_297 = arith.constant 0 : i32
      %dma_start3A_298 = arith.constant 0 : i32
      %dma_start3A_299 = tpu.memref_slice %arg7[%while3A_292, %dma_start3A_298] : memref<80x128xi32, #tpu.memory_space<vmem>> -> memref<1x128xi32, #tpu.memory_space<vmem>>
      %dma_start3A_300 = tpu.memref_squeeze %dma_start3A_299 : memref<1x128xi32, #tpu.memory_space<vmem>> -> memref<128xi32, #tpu.memory_space<vmem>>
      %dma_start3A_301 = tpu.memref_slice %arg3[%dma_start3A_297, %add3A_296] : memref<2x320000xi32, #tpu.memory_space<hbm>> -> memref<1x128xi32, #tpu.memory_space<hbm>>
      %dma_start3A_302 = tpu.memref_squeeze %dma_start3A_301 : memref<1x128xi32, #tpu.memory_space<hbm>> -> memref<128xi32, #tpu.memory_space<hbm>>
      %dma_start3A_303 = arith.constant 0 : i32
      %dma_start3A_304 = tpu.memref_slice %arg7[%while3A_292, %dma_start3A_303] : memref<80x128xi32, #tpu.memory_space<vmem>> -> memref<1x128xi32, #tpu.memory_space<vmem>>
      %dma_start3A_305 = tpu.memref_squeeze %dma_start3A_304 : memref<1x128xi32, #tpu.memory_space<vmem>> -> memref<128xi32, #tpu.memory_space<vmem>>
      %dma_start3A_306 = tpu.memref_slice %arg3[%dma_start3A_297, %add3A_296] : memref<2x320000xi32, #tpu.memory_space<hbm>> -> memref<1x128xi32, #tpu.memory_space<hbm>>
      %dma_start3A_307 = tpu.memref_squeeze %dma_start3A_306 : memref<1x128xi32, #tpu.memory_space<hbm>> -> memref<128xi32, #tpu.memory_space<hbm>>
      tpu.enqueue_dma source(%dma_start3A_307 : memref<128xi32, #tpu.memory_space<hbm>>) target(%dma_start3A_305 : memref<128xi32, #tpu.memory_space<vmem>>) target_semaphore(%arg19 : memref<!tpu.dma_semaphore, #tpu.memory_space<semaphore_mem>>)
      %while3A_308 = arith.constant 0 : i32
      scf.yield %while3A_308 : i32
    }
    %while3A_163 = arith.constant 0 : i32
    %while3A_164 = arith.constant 0 : i32
    %while3A_165 = arith.subi %select_n3A_150, %while3A_163 : i32
    %while3A_166 = arith.addi %while3A_163, %while3A_165 : i32
    %while3A_167 = arith.constant 1 : i32
    %while3A_168 = arith.divsi %while3A_165, %while3A_167 : i32
    %while3A_169 = arith.muli %while3A_168, %while3A_167 : i32
    %while3A_170 = arith.addi %while3A_163, %while3A_169 : i32
    %while3A_171 = arith.constant 1 : i32
    %while3A_172 = scf.for %while3A_292 = %while3A_163 to %while3A_170 step %while3A_171 iter_args(%while3A_293 = %while3A_164) -> (i32)  : i32 {
      %mul3A_294 = arith.constant 128 : i32
      %mul3A_295 = arith.muli %while3A_292, %mul3A_294 : i32
      %add3A_296 = arith.addi %mul3A_145, %mul3A_295 : i32
      %dma_start3A_297 = arith.constant 1 : i32
      %dma_start3A_298 = arith.constant 0 : i32
      %dma_start3A_299 = tpu.memref_slice %arg8[%while3A_292, %dma_start3A_298] : memref<80x128xi32, #tpu.memory_space<vmem>> -> memref<1x128xi32, #tpu.memory_space<vmem>>
      %dma_start3A_300 = tpu.memref_squeeze %dma_start3A_299 : memref<1x128xi32, #tpu.memory_space<vmem>> -> memref<128xi32, #tpu.memory_space<vmem>>
      %dma_start3A_301 = tpu.memref_slice %arg3[%dma_start3A_297, %add3A_296] : memref<2x320000xi32, #tpu.memory_space<hbm>> -> memref<1x128xi32, #tpu.memory_space<hbm>>
      %dma_start3A_302 = tpu.memref_squeeze %dma_start3A_301 : memref<1x128xi32, #tpu.memory_space<hbm>> -> memref<128xi32, #tpu.memory_space<hbm>>
      %dma_start3A_303 = arith.constant 0 : i32
      %dma_start3A_304 = tpu.memref_slice %arg8[%while3A_292, %dma_start3A_303] : memref<80x128xi32, #tpu.memory_space<vmem>> -> memref<1x128xi32, #tpu.memory_space<vmem>>
      %dma_start3A_305 = tpu.memref_squeeze %dma_start3A_304 : memref<1x128xi32, #tpu.memory_space<vmem>> -> memref<128xi32, #tpu.memory_space<vmem>>
      %dma_start3A_306 = tpu.memref_slice %arg3[%dma_start3A_297, %add3A_296] : memref<2x320000xi32, #tpu.memory_space<hbm>> -> memref<1x128xi32, #tpu.memory_space<hbm>>
      %dma_start3A_307 = tpu.memref_squeeze %dma_start3A_306 : memref<1x128xi32, #tpu.memory_space<hbm>> -> memref<128xi32, #tpu.memory_space<hbm>>
      tpu.enqueue_dma source(%dma_start3A_307 : memref<128xi32, #tpu.memory_space<hbm>>) target(%dma_start3A_305 : memref<128xi32, #tpu.memory_space<vmem>>) target_semaphore(%arg19 : memref<!tpu.dma_semaphore, #tpu.memory_space<semaphore_mem>>)
      %while3A_308 = arith.constant 0 : i32
      scf.yield %while3A_308 : i32
    }
    %while3A_173 = arith.constant 1 : i32
    %while3A_174 = scf.for %while3A_292 = %while3A_170 to %while3A_166 step %while3A_173 iter_args(%while3A_293 = %while3A_172) -> (i32)  : i32 {
      %mul3A_294 = arith.constant 128 : i32
      %mul3A_295 = arith.muli %while3A_292, %mul3A_294 : i32
      %add3A_296 = arith.addi %mul3A_145, %mul3A_295 : i32
      %dma_start3A_297 = arith.constant 1 : i32
      %dma_start3A_298 = arith.constant 0 : i32
      %dma_start3A_299 = tpu.memref_slice %arg8[%while3A_292, %dma_start3A_298] : memref<80x128xi32, #tpu.memory_space<vmem>> -> memref<1x128xi32, #tpu.memory_space<vmem>>
      %dma_start3A_300 = tpu.memref_squeeze %dma_start3A_299 : memref<1x128xi32, #tpu.memory_space<vmem>> -> memref<128xi32, #tpu.memory_space<vmem>>
      %dma_start3A_301 = tpu.memref_slice %arg3[%dma_start3A_297, %add3A_296] : memref<2x320000xi32, #tpu.memory_space<hbm>> -> memref<1x128xi32, #tpu.memory_space<hbm>>
      %dma_start3A_302 = tpu.memref_squeeze %dma_start3A_301 : memref<1x128xi32, #tpu.memory_space<hbm>> -> memref<128xi32, #tpu.memory_space<hbm>>
      %dma_start3A_303 = arith.constant 0 : i32
      %dma_start3A_304 = tpu.memref_slice %arg8[%while3A_292, %dma_start3A_303] : memref<80x128xi32, #tpu.memory_space<vmem>> -> memref<1x128xi32, #tpu.memory_space<vmem>>
      %dma_start3A_305 = tpu.memref_squeeze %dma_start3A_304 : memref<1x128xi32, #tpu.memory_space<vmem>> -> memref<128xi32, #tpu.memory_space<vmem>>
      %dma_start3A_306 = tpu.memref_slice %arg3[%dma_start3A_297, %add3A_296] : memref<2x320000xi32, #tpu.memory_space<hbm>> -> memref<1x128xi32, #tpu.memory_space<hbm>>
      %dma_start3A_307 = tpu.memref_squeeze %dma_start3A_306 : memref<1x128xi32, #tpu.memory_space<hbm>> -> memref<128xi32, #tpu.memory_space<hbm>>
      tpu.enqueue_dma source(%dma_start3A_307 : memref<128xi32, #tpu.memory_space<hbm>>) target(%dma_start3A_305 : memref<128xi32, #tpu.memory_space<vmem>>) target_semaphore(%arg19 : memref<!tpu.dma_semaphore, #tpu.memory_space<semaphore_mem>>)
      %while3A_308 = arith.constant 0 : i32
      scf.yield %while3A_308 : i32
    }
    %mul3A_175 = arith.constant 2 : i32
    %mul3A_176 = arith.muli %mul3A_175, %select_n3A_150 : i32
    %while3A_177 = arith.constant 0 : i32
    %while3A_178 = arith.constant 0 : i32
    %while3A_179 = arith.subi %mul3A_176, %while3A_177 : i32
    %while3A_180 = arith.addi %while3A_177, %while3A_179 : i32
    %while3A_181 = arith.constant 1 : i32
    %while3A_182 = arith.divsi %while3A_179, %while3A_181 : i32
    %while3A_183 = arith.muli %while3A_182, %while3A_181 : i32
    %while3A_184 = arith.addi %while3A_177, %while3A_183 : i32
    %while3A_185 = arith.constant 1 : i32
    %while3A_186 = scf.for %while3A_292 = %while3A_177 to %while3A_184 step %while3A_185 iter_args(%while3A_293 = %while3A_178) -> (i32)  : i32 {
      %dma_wait3A_294 = arith.constant 0 : i32
      %dma_wait3A_295 = arith.constant 0 : i32
      %dma_wait3A_296 = arith.constant 0 : i32
      %dma_wait3A_297 = tpu.memref_slice %arg7[%dma_wait3A_295, %dma_wait3A_296] : memref<80x128xi32, #tpu.memory_space<vmem>> -> memref<1x128xi32, #tpu.memory_space<vmem>>
      %dma_wait3A_298 = tpu.memref_squeeze %dma_wait3A_297 : memref<1x128xi32, #tpu.memory_space<vmem>> -> memref<128xi32, #tpu.memory_space<vmem>>
      %dma_wait3A_299 = arith.constant 0 : i32
      %dma_wait3A_300 = tpu.memref_slice %arg3[%dma_wait3A_294, %dma_wait3A_299] : memref<2x320000xi32, #tpu.memory_space<hbm>> -> memref<1x128xi32, #tpu.memory_space<hbm>>
      %dma_wait3A_301 = tpu.memref_squeeze %dma_wait3A_300 : memref<1x128xi32, #tpu.memory_space<hbm>> -> memref<128xi32, #tpu.memory_space<hbm>>
      %dma_wait3A_302 = arith.constant 0 : i32
      %dma_wait3A_303 = tpu.memref_slice %arg7[%dma_wait3A_295, %dma_wait3A_302] : memref<80x128xi32, #tpu.memory_space<vmem>> -> memref<1x128xi32, #tpu.memory_space<vmem>>
      %dma_wait3A_304 = tpu.memref_squeeze %dma_wait3A_303 : memref<1x128xi32, #tpu.memory_space<vmem>> -> memref<128xi32, #tpu.memory_space<vmem>>
      %dma_wait3A_305 = arith.constant 0 : i32
      %dma_wait3A_306 = tpu.memref_slice %arg3[%dma_wait3A_294, %dma_wait3A_305] : memref<2x320000xi32, #tpu.memory_space<hbm>> -> memref<1x128xi32, #tpu.memory_space<hbm>>
      %dma_wait3A_307 = tpu.memref_squeeze %dma_wait3A_306 : memref<1x128xi32, #tpu.memory_space<hbm>> -> memref<128xi32, #tpu.memory_space<hbm>>
      tpu.wait_dma2 semaphore(%arg19 : memref<!tpu.dma_semaphore, #tpu.memory_space<semaphore_mem>>) src(%dma_wait3A_307 : memref<128xi32, #tpu.memory_space<hbm>>) dst(%dma_wait3A_304 : memref<128xi32, #tpu.memory_space<vmem>>)
      %while3A_308 = arith.constant 0 : i32
      scf.yield %while3A_308 : i32
    }
    %while3A_187 = arith.constant 1 : i32
    %while3A_188 = scf.for %while3A_292 = %while3A_184 to %while3A_180 step %while3A_187 iter_args(%while3A_293 = %while3A_186) -> (i32)  : i32 {
      %dma_wait3A_294 = arith.constant 0 : i32
      %dma_wait3A_295 = arith.constant 0 : i32
      %dma_wait3A_296 = arith.constant 0 : i32
      %dma_wait3A_297 = tpu.memref_slice %arg7[%dma_wait3A_295, %dma_wait3A_296] : memref<80x128xi32, #tpu.memory_space<vmem>> -> memref<1x128xi32, #tpu.memory_space<vmem>>
      %dma_wait3A_298 = tpu.memref_squeeze %dma_wait3A_297 : memref<1x128xi32, #tpu.memory_space<vmem>> -> memref<128xi32, #tpu.memory_space<vmem>>
      %dma_wait3A_299 = arith.constant 0 : i32
      %dma_wait3A_300 = tpu.memref_slice %arg3[%dma_wait3A_294, %dma_wait3A_299] : memref<2x320000xi32, #tpu.memory_space<hbm>> -> memref<1x128xi32, #tpu.memory_space<hbm>>
      %dma_wait3A_301 = tpu.memref_squeeze %dma_wait3A_300 : memref<1x128xi32, #tpu.memory_space<hbm>> -> memref<128xi32, #tpu.memory_space<hbm>>
      %dma_wait3A_302 = arith.constant 0 : i32
      %dma_wait3A_303 = tpu.memref_slice %arg7[%dma_wait3A_295, %dma_wait3A_302] : memref<80x128xi32, #tpu.memory_space<vmem>> -> memref<1x128xi32, #tpu.memory_space<vmem>>
      %dma_wait3A_304 = tpu.memref_squeeze %dma_wait3A_303 : memref<1x128xi32, #tpu.memory_space<vmem>> -> memref<128xi32, #tpu.memory_space<vmem>>
      %dma_wait3A_305 = arith.constant 0 : i32
      %dma_wait3A_306 = tpu.memref_slice %arg3[%dma_wait3A_294, %dma_wait3A_305] : memref<2x320000xi32, #tpu.memory_space<hbm>> -> memref<1x128xi32, #tpu.memory_space<hbm>>
      %dma_wait3A_307 = tpu.memref_squeeze %dma_wait3A_306 : memref<1x128xi32, #tpu.memory_space<hbm>> -> memref<128xi32, #tpu.memory_space<hbm>>
      tpu.wait_dma2 semaphore(%arg19 : memref<!tpu.dma_semaphore, #tpu.memory_space<semaphore_mem>>) src(%dma_wait3A_307 : memref<128xi32, #tpu.memory_space<hbm>>) dst(%dma_wait3A_304 : memref<128xi32, #tpu.memory_space<vmem>>)
      %while3A_308 = arith.constant 0 : i32
      scf.yield %while3A_308 : i32
    }
    %dma_start3A_189 = arith.constant 0 : i32
    %dma_start3A_190 = arith.constant 0 : i32
    %dma_start3A_191 = arith.constant 0 : i32
    %dma_start3A_192 = tpu.memref_slice %arg9[%dma_start3A_190, %dma_start3A_191] : memref<1024x32xf32, #tpu.memory_space<vmem>> -> memref<128x32xf32, #tpu.memory_space<vmem>>
    %dma_start3A_193 = arith.constant 0 : i32
    %dma_start3A_194 = tpu.memref_slice %arg7[%dma_start3A_189, %dma_start3A_193] : memref<80x128xi32, #tpu.memory_space<vmem>> -> memref<1x128xi32, #tpu.memory_space<vmem>>
    %dma_start3A_195 = tpu.memref_squeeze %dma_start3A_194 : memref<1x128xi32, #tpu.memory_space<vmem>> -> memref<128xi32, #tpu.memory_space<vmem>>
    %dma_start3A_196 = arith.constant 0 : i32
    %dma_start3A_197 = arith.constant 0 : i32
    %dma_start3A_198 = tpu.memref_slice %arg6[%arg0, %dma_start3A_196, %dma_start3A_197] : memref<2x10240x32xf32, #tpu.memory_space<hbm>> -> memref<1x10240x32xf32, #tpu.memory_space<hbm>>
    %dma_start3A_199 = tpu.memref_squeeze %dma_start3A_198 : memref<1x10240x32xf32, #tpu.memory_space<hbm>> -> memref<10240x32xf32, #tpu.memory_space<hbm>>
    %dma_start3A_200 = arith.constant 0 : i32
    %dma_start3A_201 = arith.constant 0 : i32
    %dma_start3A_202 = tpu.memref_slice %dma_start3A_199[%dma_start3A_200, %dma_start3A_201] : memref<10240x32xf32, #tpu.memory_space<hbm>> -> memref<10240x32xf32, #tpu.memory_space<hbm>>
    tpu.enqueue_indirect_dma source(%dma_start3A_202 : memref<10240x32xf32, #tpu.memory_space<hbm>>) target(%dma_start3A_192 : memref<128x32xf32, #tpu.memory_space<vmem>>) offsets(%dma_start3A_195 : memref<128xi32, #tpu.memory_space<vmem>>) semaphore(%arg19 : memref<!tpu.dma_semaphore, #tpu.memory_space<semaphore_mem>>)
    %dma_start3A_203 = arith.constant 1 : i32
    %dma_start3A_204 = arith.constant 128 : i32
    %dma_start3A_205 = arith.constant 0 : i32
    %dma_start3A_206 = tpu.memref_slice %arg9[%dma_start3A_204, %dma_start3A_205] : memref<1024x32xf32, #tpu.memory_space<vmem>> -> memref<128x32xf32, #tpu.memory_space<vmem>>
    %dma_start3A_207 = arith.constant 0 : i32
    %dma_start3A_208 = tpu.memref_slice %arg7[%dma_start3A_203, %dma_start3A_207] : memref<80x128xi32, #tpu.memory_space<vmem>> -> memref<1x128xi32, #tpu.memory_space<vmem>>
    %dma_start3A_209 = tpu.memref_squeeze %dma_start3A_208 : memref<1x128xi32, #tpu.memory_space<vmem>> -> memref<128xi32, #tpu.memory_space<vmem>>
    %dma_start3A_210 = arith.constant 0 : i32
    %dma_start3A_211 = arith.constant 0 : i32
    %dma_start3A_212 = tpu.memref_slice %arg6[%arg0, %dma_start3A_210, %dma_start3A_211] : memref<2x10240x32xf32, #tpu.memory_space<hbm>> -> memref<1x10240x32xf32, #tpu.memory_space<hbm>>
    %dma_start3A_213 = tpu.memref_squeeze %dma_start3A_212 : memref<1x10240x32xf32, #tpu.memory_space<hbm>> -> memref<10240x32xf32, #tpu.memory_space<hbm>>
    %dma_start3A_214 = arith.constant 0 : i32
    %dma_start3A_215 = arith.constant 0 : i32
    %dma_start3A_216 = tpu.memref_slice %dma_start3A_213[%dma_start3A_214, %dma_start3A_215] : memref<10240x32xf32, #tpu.memory_space<hbm>> -> memref<10240x32xf32, #tpu.memory_space<hbm>>
    tpu.enqueue_indirect_dma source(%dma_start3A_216 : memref<10240x32xf32, #tpu.memory_space<hbm>>) target(%dma_start3A_206 : memref<128x32xf32, #tpu.memory_space<vmem>>) offsets(%dma_start3A_209 : memref<128xi32, #tpu.memory_space<vmem>>) semaphore(%arg19 : memref<!tpu.dma_semaphore, #tpu.memory_space<semaphore_mem>>)
    %dma_start3A_217 = arith.constant 2 : i32
    %dma_start3A_218 = arith.constant 256 : i32
    %dma_start3A_219 = arith.constant 0 : i32
    %dma_start3A_220 = tpu.memref_slice %arg9[%dma_start3A_218, %dma_start3A_219] : memref<1024x32xf32, #tpu.memory_space<vmem>> -> memref<128x32xf32, #tpu.memory_space<vmem>>
    %dma_start3A_221 = arith.constant 0 : i32
    %dma_start3A_222 = tpu.memref_slice %arg7[%dma_start3A_217, %dma_start3A_221] : memref<80x128xi32, #tpu.memory_space<vmem>> -> memref<1x128xi32, #tpu.memory_space<vmem>>
    %dma_start3A_223 = tpu.memref_squeeze %dma_start3A_222 : memref<1x128xi32, #tpu.memory_space<vmem>> -> memref<128xi32, #tpu.memory_space<vmem>>
    %dma_start3A_224 = arith.constant 0 : i32
    %dma_start3A_225 = arith.constant 0 : i32
    %dma_start3A_226 = tpu.memref_slice %arg6[%arg0, %dma_start3A_224, %dma_start3A_225] : memref<2x10240x32xf32, #tpu.memory_space<hbm>> -> memref<1x10240x32xf32, #tpu.memory_space<hbm>>
    %dma_start3A_227 = tpu.memref_squeeze %dma_start3A_226 : memref<1x10240x32xf32, #tpu.memory_space<hbm>> -> memref<10240x32xf32, #tpu.memory_space<hbm>>
    %dma_start3A_228 = arith.constant 0 : i32
    %dma_start3A_229 = arith.constant 0 : i32
    %dma_start3A_230 = tpu.memref_slice %dma_start3A_227[%dma_start3A_228, %dma_start3A_229] : memref<10240x32xf32, #tpu.memory_space<hbm>> -> memref<10240x32xf32, #tpu.memory_space<hbm>>
    tpu.enqueue_indirect_dma source(%dma_start3A_230 : memref<10240x32xf32, #tpu.memory_space<hbm>>) target(%dma_start3A_220 : memref<128x32xf32, #tpu.memory_space<vmem>>) offsets(%dma_start3A_223 : memref<128xi32, #tpu.memory_space<vmem>>) semaphore(%arg19 : memref<!tpu.dma_semaphore, #tpu.memory_space<semaphore_mem>>)
    %dma_start3A_231 = arith.constant 3 : i32
    %dma_start3A_232 = arith.constant 384 : i32
    %dma_start3A_233 = arith.constant 0 : i32
    %dma_start3A_234 = tpu.memref_slice %arg9[%dma_start3A_232, %dma_start3A_233] : memref<1024x32xf32, #tpu.memory_space<vmem>> -> memref<128x32xf32, #tpu.memory_space<vmem>>
    %dma_start3A_235 = arith.constant 0 : i32
    %dma_start3A_236 = tpu.memref_slice %arg7[%dma_start3A_231, %dma_start3A_235] : memref<80x128xi32, #tpu.memory_space<vmem>> -> memref<1x128xi32, #tpu.memory_space<vmem>>
    %dma_start3A_237 = tpu.memref_squeeze %dma_start3A_236 : memref<1x128xi32, #tpu.memory_space<vmem>> -> memref<128xi32, #tpu.memory_space<vmem>>
    %dma_start3A_238 = arith.constant 0 : i32
    %dma_start3A_239 = arith.constant 0 : i32
    %dma_start3A_240 = tpu.memref_slice %arg6[%arg0, %dma_start3A_238, %dma_start3A_239] : memref<2x10240x32xf32, #tpu.memory_space<hbm>> -> memref<1x10240x32xf32, #tpu.memory_space<hbm>>
    %dma_start3A_241 = tpu.memref_squeeze %dma_start3A_240 : memref<1x10240x32xf32, #tpu.memory_space<hbm>> -> memref<10240x32xf32, #tpu.memory_space<hbm>>
    %dma_start3A_242 = arith.constant 0 : i32
    %dma_start3A_243 = arith.constant 0 : i32
    %dma_start3A_244 = tpu.memref_slice %dma_start3A_241[%dma_start3A_242, %dma_start3A_243] : memref<10240x32xf32, #tpu.memory_space<hbm>> -> memref<10240x32xf32, #tpu.memory_space<hbm>>
    tpu.enqueue_indirect_dma source(%dma_start3A_244 : memref<10240x32xf32, #tpu.memory_space<hbm>>) target(%dma_start3A_234 : memref<128x32xf32, #tpu.memory_space<vmem>>) offsets(%dma_start3A_237 : memref<128xi32, #tpu.memory_space<vmem>>) semaphore(%arg19 : memref<!tpu.dma_semaphore, #tpu.memory_space<semaphore_mem>>)
    %dma_start3A_245 = arith.constant 4 : i32
    %dma_start3A_246 = arith.constant 512 : i32
    %dma_start3A_247 = arith.constant 0 : i32
    %dma_start3A_248 = tpu.memref_slice %arg9[%dma_start3A_246, %dma_start3A_247] : memref<1024x32xf32, #tpu.memory_space<vmem>> -> memref<128x32xf32, #tpu.memory_space<vmem>>
    %dma_start3A_249 = arith.constant 0 : i32
    %dma_start3A_250 = tpu.memref_slice %arg7[%dma_start3A_245, %dma_start3A_249] : memref<80x128xi32, #tpu.memory_space<vmem>> -> memref<1x128xi32, #tpu.memory_space<vmem>>
    %dma_start3A_251 = tpu.memref_squeeze %dma_start3A_250 : memref<1x128xi32, #tpu.memory_space<vmem>> -> memref<128xi32, #tpu.memory_space<vmem>>
    %dma_start3A_252 = arith.constant 0 : i32
    %dma_start3A_253 = arith.constant 0 : i32
    %dma_start3A_254 = tpu.memref_slice %arg6[%arg0, %dma_start3A_252, %dma_start3A_253] : memref<2x10240x32xf32, #tpu.memory_space<hbm>> -> memref<1x10240x32xf32, #tpu.memory_space<hbm>>
    %dma_start3A_255 = tpu.memref_squeeze %dma_start3A_254 : memref<1x10240x32xf32, #tpu.memory_space<hbm>> -> memref<10240x32xf32, #tpu.memory_space<hbm>>
    %dma_start3A_256 = arith.constant 0 : i32
    %dma_start3A_257 = arith.constant 0 : i32
    %dma_start3A_258 = tpu.memref_slice %dma_start3A_255[%dma_start3A_256, %dma_start3A_257] : memref<10240x32xf32, #tpu.memory_space<hbm>> -> memref<10240x32xf32, #tpu.memory_space<hbm>>
    tpu.enqueue_indirect_dma source(%dma_start3A_258 : memref<10240x32xf32, #tpu.memory_space<hbm>>) target(%dma_start3A_248 : memref<128x32xf32, #tpu.memory_space<vmem>>) offsets(%dma_start3A_251 : memref<128xi32, #tpu.memory_space<vmem>>) semaphore(%arg19 : memref<!tpu.dma_semaphore, #tpu.memory_space<semaphore_mem>>)
    %while3A_259 = arith.constant 0 : i32
    %while3A_260 = arith.constant 0 : i32
    %while3A_261 = arith.subi %select_n3A_150, %while3A_259 : i32
    %while3A_262 = arith.addi %while3A_259, %while3A_261 : i32
    %while3A_263 = arith.constant 1 : i32
    %while3A_264 = arith.divsi %while3A_261, %while3A_263 : i32
    %while3A_265 = arith.muli %while3A_264, %while3A_263 : i32
    %while3A_266 = arith.addi %while3A_259, %while3A_265 : i32
    %while3A_267 = arith.constant 1 : i32
    %while3A_268 = scf.for %while3A_292 = %while3A_259 to %while3A_266 step %while3A_267 iter_args(%while3A_293 = %while3A_260) -> (i32)  : i32 {
      %jit3A_294 = arith.constant 8 : i32
      %eq3A_295 = arith.constant 0 : i32
      %eq3A_296 = arith.cmpi eq, %jit3A_294, %eq3A_295 : i32
      %jit3A_297 = arith.constant 1 : i32
      %select_n3A_298 = arith.select %eq3A_296, %jit3A_297, %jit3A_294 : i32
      %rem3A = arith.remsi %while3A_292, %select_n3A_298 : i32
      %ne3A_299 = arith.constant 0 : i32
      %ne3A_300 = arith.cmpi ne, %rem3A, %ne3A_299 : i32
      %lt3A = arith.constant 0 : i32
      %lt3A_301 = arith.cmpi slt, %rem3A, %lt3A : i32
      %lt3A_302 = arith.constant 0 : i32
      %lt3A_303 = arith.cmpi slt, %select_n3A_298, %lt3A_302 : i32
      %ne3A_304 = arith.xori %lt3A_301, %lt3A_303 : i1
      %and3A = arith.andi %ne3A_304, %ne3A_300 : i1
      %add3A_305 = arith.addi %rem3A, %select_n3A_298 : i32
      %select_n3A_306 = arith.select %and3A, %add3A_305, %rem3A : i32
      %mul3A_307 = arith.constant 128 : i32
      %mul3A_308 = arith.muli %select_n3A_306, %mul3A_307 : i32
      %dma_wait3A_309 = arith.constant 0 : i32
      %dma_wait3A_310 = tpu.memref_slice %arg9[%mul3A_308, %dma_wait3A_309] : memref<1024x32xf32, #tpu.memory_space<vmem>> -> memref<128x32xf32, #tpu.memory_space<vmem>>
      %dma_wait3A_311 = arith.constant 0 : i32
      %dma_wait3A_312 = tpu.memref_slice %arg7[%while3A_292, %dma_wait3A_311] : memref<80x128xi32, #tpu.memory_space<vmem>> -> memref<1x128xi32, #tpu.memory_space<vmem>>
      %dma_wait3A_313 = tpu.memref_squeeze %dma_wait3A_312 : memref<1x128xi32, #tpu.memory_space<vmem>> -> memref<128xi32, #tpu.memory_space<vmem>>
      %dma_wait3A_314 = arith.constant 0 : i32
      %dma_wait3A_315 = arith.constant 0 : i32
      %dma_wait3A_316 = tpu.memref_slice %arg6[%arg0, %dma_wait3A_314, %dma_wait3A_315] : memref<2x10240x32xf32, #tpu.memory_space<hbm>> -> memref<1x10240x32xf32, #tpu.memory_space<hbm>>
      %dma_wait3A_317 = tpu.memref_squeeze %dma_wait3A_316 : memref<1x10240x32xf32, #tpu.memory_space<hbm>> -> memref<10240x32xf32, #tpu.memory_space<hbm>>
      %dma_wait3A_318 = arith.constant 0 : i32
      %dma_wait3A_319 = arith.constant 0 : i32
      %dma_wait3A_320 = tpu.memref_slice %dma_wait3A_317[%dma_wait3A_318, %dma_wait3A_319] : memref<10240x32xf32, #tpu.memory_space<hbm>> -> memref<10240x32xf32, #tpu.memory_space<hbm>>
      tpu.wait_indirect_dma semaphore(%arg19 : memref<!tpu.dma_semaphore, #tpu.memory_space<semaphore_mem>>) src(%dma_wait3A_320 : memref<10240x32xf32, #tpu.memory_space<hbm>>) dst(%dma_wait3A_310 : memref<128x32xf32, #tpu.memory_space<vmem>>)
      %mul3A_321 = arith.constant 128 : i32
      %mul3A_322 = arith.muli %select_n3A_306, %mul3A_321 : i32
      %dma_start3A_323 = arith.constant 0 : i32
      %dma_start3A_324 = tpu.memref_slice %arg9[%mul3A_322, %dma_start3A_323] : memref<1024x32xf32, #tpu.memory_space<vmem>> -> memref<128x32xf32, #tpu.memory_space<vmem>>
      %dma_start3A_325 = arith.constant 0 : i32
      %dma_start3A_326 = tpu.memref_slice %arg8[%while3A_292, %dma_start3A_325] : memref<80x128xi32, #tpu.memory_space<vmem>> -> memref<1x128xi32, #tpu.memory_space<vmem>>
      %dma_start3A_327 = tpu.memref_squeeze %dma_start3A_326 : memref<1x128xi32, #tpu.memory_space<vmem>> -> memref<128xi32, #tpu.memory_space<vmem>>
      %dma_start3A_328 = arith.constant 0 : i32
      %dma_start3A_329 = arith.constant 0 : i32
      %dma_start3A_330 = tpu.memref_slice %arg18[%dma_start3A_328, %dma_start3A_329] : memref<10240x32xf32, #tpu.memory_space<vmem_shared>> -> memref<10240x32xf32, #tpu.memory_space<vmem_shared>>
      tpu.enqueue_indirect_dma source(%dma_start3A_324 : memref<128x32xf32, #tpu.memory_space<vmem>>) target(%dma_start3A_330 : memref<10240x32xf32, #tpu.memory_space<vmem_shared>>) offsets(%dma_start3A_327 : memref<128xi32, #tpu.memory_space<vmem>>) semaphore(%arg20 : memref<!tpu.dma_semaphore, #tpu.memory_space<semaphore_mem>>) {add = true}
      %ge3A = arith.constant 3 : i32
      %ge3A_331 = arith.cmpi sge, %while3A_292, %ge3A : i32
      %convert_element_type3A_332 = arith.extui %ge3A_331 : i1 to i32
      %cond3A_333 = arith.constant 0 : i32
      %cond3A_334 = arith.cmpi ne, %convert_element_type3A_332, %cond3A_333 : i32
      scf.if %cond3A_334 {
        %mul3A_341 = arith.constant 128 : i32
        %mul3A_342 = arith.muli %select_n3A_306, %mul3A_341 : i32
        %dma_wait3A_343 = arith.constant 0 : i32
        %dma_wait3A_344 = tpu.memref_slice %arg9[%mul3A_342, %dma_wait3A_343] : memref<1024x32xf32, #tpu.memory_space<vmem>> -> memref<128x32xf32, #tpu.memory_space<vmem>>
        %dma_wait3A_345 = arith.constant 0 : i32
        %dma_wait3A_346 = tpu.memref_slice %arg8[%while3A_292, %dma_wait3A_345] : memref<80x128xi32, #tpu.memory_space<vmem>> -> memref<1x128xi32, #tpu.memory_space<vmem>>
        %dma_wait3A_347 = tpu.memref_squeeze %dma_wait3A_346 : memref<1x128xi32, #tpu.memory_space<vmem>> -> memref<128xi32, #tpu.memory_space<vmem>>
        %dma_wait3A_348 = arith.constant 0 : i32
        %dma_wait3A_349 = arith.constant 0 : i32
        %dma_wait3A_350 = tpu.memref_slice %arg18[%dma_wait3A_348, %dma_wait3A_349] : memref<10240x32xf32, #tpu.memory_space<vmem_shared>> -> memref<10240x32xf32, #tpu.memory_space<vmem_shared>>
        tpu.wait_indirect_dma semaphore(%arg20 : memref<!tpu.dma_semaphore, #tpu.memory_space<semaphore_mem>>) src(%dma_wait3A_344 : memref<128x32xf32, #tpu.memory_space<vmem>>) dst(%dma_wait3A_350 : memref<10240x32xf32, #tpu.memory_space<vmem_shared>>)
      } else {
      }
      %sub3A = arith.constant 5 : i32
      %sub3A_335 = arith.subi %select_n3A_150, %sub3A : i32
      %lt3A_336 = arith.cmpi slt, %while3A_292, %sub3A_335 : i32
      %convert_element_type3A_337 = arith.extui %lt3A_336 : i1 to i32
      %cond3A_338 = arith.constant 0 : i32
      %cond3A_339 = arith.cmpi ne, %convert_element_type3A_337, %cond3A_338 : i32
      scf.if %cond3A_339 {
        %add3A_341 = arith.constant 8 : i32
        %add3A_342 = arith.addi %while3A_292, %add3A_341 : i32
        %sub3A_343 = arith.constant 3 : i32
        %sub3A_344 = arith.subi %add3A_342, %sub3A_343 : i32
        %add3A_345 = arith.constant 8 : i32
        %add3A_346 = arith.addi %while3A_292, %add3A_345 : i32
        %sub3A_347 = arith.constant 3 : i32
        %sub3A_348 = arith.subi %add3A_346, %sub3A_347 : i32
        %jit3A_349 = arith.constant 8 : i32
        %eq3A_350 = arith.constant 0 : i32
        %eq3A_351 = arith.cmpi eq, %jit3A_349, %eq3A_350 : i32
        %jit3A_352 = arith.constant 1 : i32
        %select_n3A_353 = arith.select %eq3A_351, %jit3A_352, %jit3A_349 : i32
        %rem3A_354 = arith.remsi %sub3A_348, %select_n3A_353 : i32
        %ne3A_355 = arith.constant 0 : i32
        %ne3A_356 = arith.cmpi ne, %rem3A_354, %ne3A_355 : i32
        %lt3A_357 = arith.constant 0 : i32
        %lt3A_358 = arith.cmpi slt, %rem3A_354, %lt3A_357 : i32
        %lt3A_359 = arith.constant 0 : i32
        %lt3A_360 = arith.cmpi slt, %select_n3A_353, %lt3A_359 : i32
        %ne3A_361 = arith.xori %lt3A_358, %lt3A_360 : i1
        %and3A_362 = arith.andi %ne3A_361, %ne3A_356 : i1
        %add3A_363 = arith.addi %rem3A_354, %select_n3A_353 : i32
        %select_n3A_364 = arith.select %and3A_362, %add3A_363, %rem3A_354 : i32
        %mul3A_365 = arith.constant 128 : i32
        %mul3A_366 = arith.muli %select_n3A_364, %mul3A_365 : i32
        %dma_start3A_367 = arith.constant 0 : i32
        %dma_start3A_368 = tpu.memref_slice %arg9[%mul3A_366, %dma_start3A_367] : memref<1024x32xf32, #tpu.memory_space<vmem>> -> memref<128x32xf32, #tpu.memory_space<vmem>>
        %dma_start3A_369 = arith.constant 0 : i32
        %dma_start3A_370 = tpu.memref_slice %arg7[%sub3A_344, %dma_start3A_369] : memref<80x128xi32, #tpu.memory_space<vmem>> -> memref<1x128xi32, #tpu.memory_space<vmem>>
        %dma_start3A_371 = tpu.memref_squeeze %dma_start3A_370 : memref<1x128xi32, #tpu.memory_space<vmem>> -> memref<128xi32, #tpu.memory_space<vmem>>
        %dma_start3A_372 = arith.constant 0 : i32
        %dma_start3A_373 = arith.constant 0 : i32
        %dma_start3A_374 = tpu.memref_slice %arg6[%arg0, %dma_start3A_372, %dma_start3A_373] : memref<2x10240x32xf32, #tpu.memory_space<hbm>> -> memref<1x10240x32xf32, #tpu.memory_space<hbm>>
        %dma_start3A_375 = tpu.memref_squeeze %dma_start3A_374 : memref<1x10240x32xf32, #tpu.memory_space<hbm>> -> memref<10240x32xf32, #tpu.memory_space<hbm>>
        %dma_start3A_376 = arith.constant 0 : i32
        %dma_start3A_377 = arith.constant 0 : i32
        %dma_start3A_378 = tpu.memref_slice %dma_start3A_375[%dma_start3A_376, %dma_start3A_377] : memref<10240x32xf32, #tpu.memory_space<hbm>> -> memref<10240x32xf32, #tpu.memory_space<hbm>>
        tpu.enqueue_indirect_dma source(%dma_start3A_378 : memref<10240x32xf32, #tpu.memory_space<hbm>>) target(%dma_start3A_368 : memref<128x32xf32, #tpu.memory_space<vmem>>) offsets(%dma_start3A_371 : memref<128xi32, #tpu.memory_space<vmem>>) semaphore(%arg19 : memref<!tpu.dma_semaphore, #tpu.memory_space<semaphore_mem>>)
      } else {
      }
      %while3A_340 = arith.constant 0 : i32
      scf.yield %while3A_340 : i32
    }
    %while3A_269 = arith.constant 1 : i32
    %while3A_270 = scf.for %while3A_292 = %while3A_266 to %while3A_262 step %while3A_269 iter_args(%while3A_293 = %while3A_268) -> (i32)  : i32 {
      %jit3A_294 = arith.constant 8 : i32
      %eq3A_295 = arith.constant 0 : i32
      %eq3A_296 = arith.cmpi eq, %jit3A_294, %eq3A_295 : i32
      %jit3A_297 = arith.constant 1 : i32
      %select_n3A_298 = arith.select %eq3A_296, %jit3A_297, %jit3A_294 : i32
      %rem3A = arith.remsi %while3A_292, %select_n3A_298 : i32
      %ne3A_299 = arith.constant 0 : i32
      %ne3A_300 = arith.cmpi ne, %rem3A, %ne3A_299 : i32
      %lt3A = arith.constant 0 : i32
      %lt3A_301 = arith.cmpi slt, %rem3A, %lt3A : i32
      %lt3A_302 = arith.constant 0 : i32
      %lt3A_303 = arith.cmpi slt, %select_n3A_298, %lt3A_302 : i32
      %ne3A_304 = arith.xori %lt3A_301, %lt3A_303 : i1
      %and3A = arith.andi %ne3A_304, %ne3A_300 : i1
      %add3A_305 = arith.addi %rem3A, %select_n3A_298 : i32
      %select_n3A_306 = arith.select %and3A, %add3A_305, %rem3A : i32
      %mul3A_307 = arith.constant 128 : i32
      %mul3A_308 = arith.muli %select_n3A_306, %mul3A_307 : i32
      %dma_wait3A_309 = arith.constant 0 : i32
      %dma_wait3A_310 = tpu.memref_slice %arg9[%mul3A_308, %dma_wait3A_309] : memref<1024x32xf32, #tpu.memory_space<vmem>> -> memref<128x32xf32, #tpu.memory_space<vmem>>
      %dma_wait3A_311 = arith.constant 0 : i32
      %dma_wait3A_312 = tpu.memref_slice %arg7[%while3A_292, %dma_wait3A_311] : memref<80x128xi32, #tpu.memory_space<vmem>> -> memref<1x128xi32, #tpu.memory_space<vmem>>
      %dma_wait3A_313 = tpu.memref_squeeze %dma_wait3A_312 : memref<1x128xi32, #tpu.memory_space<vmem>> -> memref<128xi32, #tpu.memory_space<vmem>>
      %dma_wait3A_314 = arith.constant 0 : i32
      %dma_wait3A_315 = arith.constant 0 : i32
      %dma_wait3A_316 = tpu.memref_slice %arg6[%arg0, %dma_wait3A_314, %dma_wait3A_315] : memref<2x10240x32xf32, #tpu.memory_space<hbm>> -> memref<1x10240x32xf32, #tpu.memory_space<hbm>>
      %dma_wait3A_317 = tpu.memref_squeeze %dma_wait3A_316 : memref<1x10240x32xf32, #tpu.memory_space<hbm>> -> memref<10240x32xf32, #tpu.memory_space<hbm>>
      %dma_wait3A_318 = arith.constant 0 : i32
      %dma_wait3A_319 = arith.constant 0 : i32
      %dma_wait3A_320 = tpu.memref_slice %dma_wait3A_317[%dma_wait3A_318, %dma_wait3A_319] : memref<10240x32xf32, #tpu.memory_space<hbm>> -> memref<10240x32xf32, #tpu.memory_space<hbm>>
      tpu.wait_indirect_dma semaphore(%arg19 : memref<!tpu.dma_semaphore, #tpu.memory_space<semaphore_mem>>) src(%dma_wait3A_320 : memref<10240x32xf32, #tpu.memory_space<hbm>>) dst(%dma_wait3A_310 : memref<128x32xf32, #tpu.memory_space<vmem>>)
      %mul3A_321 = arith.constant 128 : i32
      %mul3A_322 = arith.muli %select_n3A_306, %mul3A_321 : i32
      %dma_start3A_323 = arith.constant 0 : i32
      %dma_start3A_324 = tpu.memref_slice %arg9[%mul3A_322, %dma_start3A_323] : memref<1024x32xf32, #tpu.memory_space<vmem>> -> memref<128x32xf32, #tpu.memory_space<vmem>>
      %dma_start3A_325 = arith.constant 0 : i32
      %dma_start3A_326 = tpu.memref_slice %arg8[%while3A_292, %dma_start3A_325] : memref<80x128xi32, #tpu.memory_space<vmem>> -> memref<1x128xi32, #tpu.memory_space<vmem>>
      %dma_start3A_327 = tpu.memref_squeeze %dma_start3A_326 : memref<1x128xi32, #tpu.memory_space<vmem>> -> memref<128xi32, #tpu.memory_space<vmem>>
      %dma_start3A_328 = arith.constant 0 : i32
      %dma_start3A_329 = arith.constant 0 : i32
      %dma_start3A_330 = tpu.memref_slice %arg18[%dma_start3A_328, %dma_start3A_329] : memref<10240x32xf32, #tpu.memory_space<vmem_shared>> -> memref<10240x32xf32, #tpu.memory_space<vmem_shared>>
      tpu.enqueue_indirect_dma source(%dma_start3A_324 : memref<128x32xf32, #tpu.memory_space<vmem>>) target(%dma_start3A_330 : memref<10240x32xf32, #tpu.memory_space<vmem_shared>>) offsets(%dma_start3A_327 : memref<128xi32, #tpu.memory_space<vmem>>) semaphore(%arg20 : memref<!tpu.dma_semaphore, #tpu.memory_space<semaphore_mem>>) {add = true}
      %ge3A = arith.constant 3 : i32
      %ge3A_331 = arith.cmpi sge, %while3A_292, %ge3A : i32
      %convert_element_type3A_332 = arith.extui %ge3A_331 : i1 to i32
      %cond3A_333 = arith.constant 0 : i32
      %cond3A_334 = arith.cmpi ne, %convert_element_type3A_332, %cond3A_333 : i32
      scf.if %cond3A_334 {
        %mul3A_341 = arith.constant 128 : i32
        %mul3A_342 = arith.muli %select_n3A_306, %mul3A_341 : i32
        %dma_wait3A_343 = arith.constant 0 : i32
        %dma_wait3A_344 = tpu.memref_slice %arg9[%mul3A_342, %dma_wait3A_343] : memref<1024x32xf32, #tpu.memory_space<vmem>> -> memref<128x32xf32, #tpu.memory_space<vmem>>
        %dma_wait3A_345 = arith.constant 0 : i32
        %dma_wait3A_346 = tpu.memref_slice %arg8[%while3A_292, %dma_wait3A_345] : memref<80x128xi32, #tpu.memory_space<vmem>> -> memref<1x128xi32, #tpu.memory_space<vmem>>
        %dma_wait3A_347 = tpu.memref_squeeze %dma_wait3A_346 : memref<1x128xi32, #tpu.memory_space<vmem>> -> memref<128xi32, #tpu.memory_space<vmem>>
        %dma_wait3A_348 = arith.constant 0 : i32
        %dma_wait3A_349 = arith.constant 0 : i32
        %dma_wait3A_350 = tpu.memref_slice %arg18[%dma_wait3A_348, %dma_wait3A_349] : memref<10240x32xf32, #tpu.memory_space<vmem_shared>> -> memref<10240x32xf32, #tpu.memory_space<vmem_shared>>
        tpu.wait_indirect_dma semaphore(%arg20 : memref<!tpu.dma_semaphore, #tpu.memory_space<semaphore_mem>>) src(%dma_wait3A_344 : memref<128x32xf32, #tpu.memory_space<vmem>>) dst(%dma_wait3A_350 : memref<10240x32xf32, #tpu.memory_space<vmem_shared>>)
      } else {
      }
      %sub3A = arith.constant 5 : i32
      %sub3A_335 = arith.subi %select_n3A_150, %sub3A : i32
      %lt3A_336 = arith.cmpi slt, %while3A_292, %sub3A_335 : i32
      %convert_element_type3A_337 = arith.extui %lt3A_336 : i1 to i32
      %cond3A_338 = arith.constant 0 : i32
      %cond3A_339 = arith.cmpi ne, %convert_element_type3A_337, %cond3A_338 : i32
      scf.if %cond3A_339 {
        %add3A_341 = arith.constant 8 : i32
        %add3A_342 = arith.addi %while3A_292, %add3A_341 : i32
        %sub3A_343 = arith.constant 3 : i32
        %sub3A_344 = arith.subi %add3A_342, %sub3A_343 : i32
        %add3A_345 = arith.constant 8 : i32
        %add3A_346 = arith.addi %while3A_292, %add3A_345 : i32
        %sub3A_347 = arith.constant 3 : i32
        %sub3A_348 = arith.subi %add3A_346, %sub3A_347 : i32
        %jit3A_349 = arith.constant 8 : i32
        %eq3A_350 = arith.constant 0 : i32
        %eq3A_351 = arith.cmpi eq, %jit3A_349, %eq3A_350 : i32
        %jit3A_352 = arith.constant 1 : i32
        %select_n3A_353 = arith.select %eq3A_351, %jit3A_352, %jit3A_349 : i32
        %rem3A_354 = arith.remsi %sub3A_348, %select_n3A_353 : i32
        %ne3A_355 = arith.constant 0 : i32
        %ne3A_356 = arith.cmpi ne, %rem3A_354, %ne3A_355 : i32
        %lt3A_357 = arith.constant 0 : i32
        %lt3A_358 = arith.cmpi slt, %rem3A_354, %lt3A_357 : i32
        %lt3A_359 = arith.constant 0 : i32
        %lt3A_360 = arith.cmpi slt, %select_n3A_353, %lt3A_359 : i32
        %ne3A_361 = arith.xori %lt3A_358, %lt3A_360 : i1
        %and3A_362 = arith.andi %ne3A_361, %ne3A_356 : i1
        %add3A_363 = arith.addi %rem3A_354, %select_n3A_353 : i32
        %select_n3A_364 = arith.select %and3A_362, %add3A_363, %rem3A_354 : i32
        %mul3A_365 = arith.constant 128 : i32
        %mul3A_366 = arith.muli %select_n3A_364, %mul3A_365 : i32
        %dma_start3A_367 = arith.constant 0 : i32
        %dma_start3A_368 = tpu.memref_slice %arg9[%mul3A_366, %dma_start3A_367] : memref<1024x32xf32, #tpu.memory_space<vmem>> -> memref<128x32xf32, #tpu.memory_space<vmem>>
        %dma_start3A_369 = arith.constant 0 : i32
        %dma_start3A_370 = tpu.memref_slice %arg7[%sub3A_344, %dma_start3A_369] : memref<80x128xi32, #tpu.memory_space<vmem>> -> memref<1x128xi32, #tpu.memory_space<vmem>>
        %dma_start3A_371 = tpu.memref_squeeze %dma_start3A_370 : memref<1x128xi32, #tpu.memory_space<vmem>> -> memref<128xi32, #tpu.memory_space<vmem>>
        %dma_start3A_372 = arith.constant 0 : i32
        %dma_start3A_373 = arith.constant 0 : i32
        %dma_start3A_374 = tpu.memref_slice %arg6[%arg0, %dma_start3A_372, %dma_start3A_373] : memref<2x10240x32xf32, #tpu.memory_space<hbm>> -> memref<1x10240x32xf32, #tpu.memory_space<hbm>>
        %dma_start3A_375 = tpu.memref_squeeze %dma_start3A_374 : memref<1x10240x32xf32, #tpu.memory_space<hbm>> -> memref<10240x32xf32, #tpu.memory_space<hbm>>
        %dma_start3A_376 = arith.constant 0 : i32
        %dma_start3A_377 = arith.constant 0 : i32
        %dma_start3A_378 = tpu.memref_slice %dma_start3A_375[%dma_start3A_376, %dma_start3A_377] : memref<10240x32xf32, #tpu.memory_space<hbm>> -> memref<10240x32xf32, #tpu.memory_space<hbm>>
        tpu.enqueue_indirect_dma source(%dma_start3A_378 : memref<10240x32xf32, #tpu.memory_space<hbm>>) target(%dma_start3A_368 : memref<128x32xf32, #tpu.memory_space<vmem>>) offsets(%dma_start3A_371 : memref<128xi32, #tpu.memory_space<vmem>>) semaphore(%arg19 : memref<!tpu.dma_semaphore, #tpu.memory_space<semaphore_mem>>)
      } else {
      }
      %while3A_340 = arith.constant 0 : i32
      scf.yield %while3A_340 : i32
    }
    %scan3A_271 = arith.constant 0 : i32
    %scan3A_272 = arith.constant 0 : i32
    %scan3A_273 = arith.constant 3 : i32
    %scan3A_274 = arith.addi %scan3A_272, %scan3A_273 : i32
    %scan3A_275 = arith.constant 1 : i32
    %scan3A_276 = scf.for %scan3A_292 = %scan3A_272 to %scan3A_274 step %scan3A_275 iter_args(%scan3A_293 = %scan3A_271) -> (i32)  : i32 {
      %dma_wait3A_294 = arith.constant 0 : i32
      %dma_wait3A_295 = arith.constant 0 : i32
      %dma_wait3A_296 = arith.constant 0 : i32
      %dma_wait3A_297 = tpu.memref_slice %arg9[%dma_wait3A_295, %dma_wait3A_296] : memref<1024x32xf32, #tpu.memory_space<vmem>> -> memref<128x32xf32, #tpu.memory_space<vmem>>
      %dma_wait3A_298 = arith.constant 0 : i32
      %dma_wait3A_299 = tpu.memref_slice %arg8[%dma_wait3A_294, %dma_wait3A_298] : memref<80x128xi32, #tpu.memory_space<vmem>> -> memref<1x128xi32, #tpu.memory_space<vmem>>
      %dma_wait3A_300 = tpu.memref_squeeze %dma_wait3A_299 : memref<1x128xi32, #tpu.memory_space<vmem>> -> memref<128xi32, #tpu.memory_space<vmem>>
      %dma_wait3A_301 = arith.constant 0 : i32
      %dma_wait3A_302 = arith.constant 0 : i32
      %dma_wait3A_303 = tpu.memref_slice %arg18[%dma_wait3A_301, %dma_wait3A_302] : memref<10240x32xf32, #tpu.memory_space<vmem_shared>> -> memref<10240x32xf32, #tpu.memory_space<vmem_shared>>
      tpu.wait_indirect_dma semaphore(%arg20 : memref<!tpu.dma_semaphore, #tpu.memory_space<semaphore_mem>>) src(%dma_wait3A_297 : memref<128x32xf32, #tpu.memory_space<vmem>>) dst(%dma_wait3A_303 : memref<10240x32xf32, #tpu.memory_space<vmem_shared>>)
      %scan3A_304 = arith.constant 0 : i32
      scf.yield %scan3A_304 : i32
    }
    %scan3A_277 = arith.constant 3 : i32
    %barrier3A_278 = arith.constant 0 : index
    tpu.barrier barrier_id(%barrier3A_278)
    %mul3A_279 = arith.constant 640 : i32
    %mul3A_280 = arith.muli %arg1, %mul3A_279 : i32
    "tpu.region"() ({
      %run_scoped3A = tpu.sem_alloc : memref<!tpu.dma_semaphore, #tpu.memory_space<semaphore_mem>>
      %dma_start3A_292 = arith.constant 0 : i32
      %dma_start3A_293 = arith.constant 0 : i32
      %dma_start3A_294 = tpu.memref_slice %arg9[%dma_start3A_292, %dma_start3A_293] : memref<1024x32xf32, #tpu.memory_space<vmem>> -> memref<640x32xf32, #tpu.memory_space<vmem>>
      %dma_start3A_295 = arith.constant 0 : i32
      %dma_start3A_296 = tpu.memref_slice %arg18[%mul3A_280, %dma_start3A_295] : memref<10240x32xf32, #tpu.memory_space<vmem_shared>> -> memref<640x32xf32, #tpu.memory_space<vmem_shared>>
      %dma_start3A_297 = arith.constant 0 : i32
      %dma_start3A_298 = arith.constant 0 : i32
      %dma_start3A_299 = tpu.memref_slice %arg9[%dma_start3A_297, %dma_start3A_298] : memref<1024x32xf32, #tpu.memory_space<vmem>> -> memref<640x32xf32, #tpu.memory_space<vmem>>
      %dma_start3A_300 = arith.constant 0 : i32
      %dma_start3A_301 = tpu.memref_slice %arg18[%mul3A_280, %dma_start3A_300] : memref<10240x32xf32, #tpu.memory_space<vmem_shared>> -> memref<640x32xf32, #tpu.memory_space<vmem_shared>>
      tpu.enqueue_dma source(%dma_start3A_301 : memref<640x32xf32, #tpu.memory_space<vmem_shared>>) target(%dma_start3A_299 : memref<640x32xf32, #tpu.memory_space<vmem>>) target_semaphore(%run_scoped3A : memref<!tpu.dma_semaphore, #tpu.memory_space<semaphore_mem>>)
      %dma_wait3A_302 = arith.constant 0 : i32
      %dma_wait3A_303 = arith.constant 0 : i32
      %dma_wait3A_304 = tpu.memref_slice %arg9[%dma_wait3A_302, %dma_wait3A_303] : memref<1024x32xf32, #tpu.memory_space<vmem>> -> memref<640x32xf32, #tpu.memory_space<vmem>>
      %dma_wait3A_305 = arith.constant 0 : i32
      %dma_wait3A_306 = tpu.memref_slice %arg18[%mul3A_280, %dma_wait3A_305] : memref<10240x32xf32, #tpu.memory_space<vmem_shared>> -> memref<640x32xf32, #tpu.memory_space<vmem_shared>>
      %dma_wait3A_307 = arith.constant 0 : i32
      %dma_wait3A_308 = arith.constant 0 : i32
      %dma_wait3A_309 = tpu.memref_slice %arg9[%dma_wait3A_307, %dma_wait3A_308] : memref<1024x32xf32, #tpu.memory_space<vmem>> -> memref<640x32xf32, #tpu.memory_space<vmem>>
      %dma_wait3A_310 = arith.constant 0 : i32
      %dma_wait3A_311 = tpu.memref_slice %arg18[%mul3A_280, %dma_wait3A_310] : memref<10240x32xf32, #tpu.memory_space<vmem_shared>> -> memref<640x32xf32, #tpu.memory_space<vmem_shared>>
      tpu.wait_dma2 semaphore(%run_scoped3A : memref<!tpu.dma_semaphore, #tpu.memory_space<semaphore_mem>>) src(%dma_wait3A_311 : memref<640x32xf32, #tpu.memory_space<vmem_shared>>) dst(%dma_wait3A_309 : memref<640x32xf32, #tpu.memory_space<vmem>>)
      tpu.yield
    }) : () -> ()
    %eq3A_281 = arith.constant 0 : i32
    %eq3A_282 = arith.cmpi eq, %arg0, %eq3A_281 : i32
    %convert_element_type3A_283 = arith.extui %eq3A_282 : i1 to i32
    %cond3A_284 = arith.constant 0 : i32
    %cond3A_285 = arith.cmpi ne, %convert_element_type3A_283, %cond3A_284 : i32
    scf.if %cond3A_285 {
      %scan3A_292 = arith.constant 0 : i32
      %scan3A_293 = arith.constant 0 : i32
      %scan3A_294 = arith.constant 1280 : i32
      %scan3A_295 = arith.addi %scan3A_293, %scan3A_294 : i32
      %scan3A_296 = arith.constant 1 : i32
      %scan3A_297 = scf.for %scan3A_299 = %scan3A_293 to %scan3A_295 step %scan3A_296 iter_args(%scan3A_300 = %scan3A_292) -> (i32)  : i32 {
        %jit3A_301 = arith.constant 2 : i32
        %div3A = arith.divsi %scan3A_299, %jit3A_301 : i32
        %sign3A = arith.constant 0 : i32
        %sign3A_302 = arith.cmpi sgt, %scan3A_299, %sign3A : i32
        %sign3A_303 = arith.extui %sign3A_302 : i1 to i32
        %sign3A_304 = arith.constant 0 : i32
        %sign3A_305 = arith.cmpi slt, %scan3A_299, %sign3A_304 : i32
        %sign3A_306 = arith.extui %sign3A_305 : i1 to i32
        %sign3A_307 = arith.subi %sign3A_303, %sign3A_306 : i32
        %sign3A_308 = arith.constant 0 : i32
        %sign3A_309 = arith.cmpi sgt, %jit3A_301, %sign3A_308 : i32
        %sign3A_310 = arith.extui %sign3A_309 : i1 to i32
        %sign3A_311 = arith.constant 0 : i32
        %sign3A_312 = arith.cmpi slt, %jit3A_301, %sign3A_311 : i32
        %sign3A_313 = arith.extui %sign3A_312 : i1 to i32
        %sign3A_314 = arith.subi %sign3A_310, %sign3A_313 : i32
        %ne3A_315 = arith.cmpi ne, %sign3A_307, %sign3A_314 : i32
        %rem3A = arith.remsi %scan3A_299, %jit3A_301 : i32
        %ne3A_316 = arith.constant 0 : i32
        %ne3A_317 = arith.cmpi ne, %rem3A, %ne3A_316 : i32
        %and3A = arith.andi %ne3A_315, %ne3A_317 : i1
        %sub3A = arith.constant 1 : i32
        %sub3A_318 = arith.subi %div3A, %sub3A : i32
        %select_n3A_319 = arith.select %and3A, %sub3A_318, %div3A : i32
        %broadcast_in_dim3A = vector.broadcast %select_n3A_319 : i32 to vector<16xi32>
        %gather3A = tpu.vector_load_idx %arg14[%broadcast_in_dim3A] : memref<640xf32, #tpu.memory_space<vmem>>[vector<16xi32>], vector<16xf32>,
        %jit3A_320 = arith.constant 2 : i32
        %div3A_321 = arith.divsi %scan3A_299, %jit3A_320 : i32
        %sign3A_322 = arith.constant 0 : i32
        %sign3A_323 = arith.cmpi sgt, %scan3A_299, %sign3A_322 : i32
        %sign3A_324 = arith.extui %sign3A_323 : i1 to i32
        %sign3A_325 = arith.constant 0 : i32
        %sign3A_326 = arith.cmpi slt, %scan3A_299, %sign3A_325 : i32
        %sign3A_327 = arith.extui %sign3A_326 : i1 to i32
        %sign3A_328 = arith.subi %sign3A_324, %sign3A_327 : i32
        %sign3A_329 = arith.constant 0 : i32
        %sign3A_330 = arith.cmpi sgt, %jit3A_320, %sign3A_329 : i32
        %sign3A_331 = arith.extui %sign3A_330 : i1 to i32
        %sign3A_332 = arith.constant 0 : i32
        %sign3A_333 = arith.cmpi slt, %jit3A_320, %sign3A_332 : i32
        %sign3A_334 = arith.extui %sign3A_333 : i1 to i32
        %sign3A_335 = arith.subi %sign3A_331, %sign3A_334 : i32
        %ne3A_336 = arith.cmpi ne, %sign3A_328, %sign3A_335 : i32
        %rem3A_337 = arith.remsi %scan3A_299, %jit3A_320 : i32
        %ne3A_338 = arith.constant 0 : i32
        %ne3A_339 = arith.cmpi ne, %rem3A_337, %ne3A_338 : i32
        %and3A_340 = arith.andi %ne3A_336, %ne3A_339 : i1
        %sub3A_341 = arith.constant 1 : i32
        %sub3A_342 = arith.subi %div3A_321, %sub3A_341 : i32
        %select_n3A_343 = arith.select %and3A_340, %sub3A_342, %div3A_321 : i32
        %jit3A_344 = arith.constant 2 : i32
        %eq3A_345 = arith.constant 0 : i32
        %eq3A_346 = arith.cmpi eq, %jit3A_344, %eq3A_345 : i32
        %jit3A_347 = arith.constant 1 : i32
        %select_n3A_348 = arith.select %eq3A_346, %jit3A_347, %jit3A_344 : i32
        %rem3A_349 = arith.remsi %scan3A_299, %select_n3A_348 : i32
        %ne3A_350 = arith.constant 0 : i32
        %ne3A_351 = arith.cmpi ne, %rem3A_349, %ne3A_350 : i32
        %lt3A = arith.constant 0 : i32
        %lt3A_352 = arith.cmpi slt, %rem3A_349, %lt3A : i32
        %lt3A_353 = arith.constant 0 : i32
        %lt3A_354 = arith.cmpi slt, %select_n3A_348, %lt3A_353 : i32
        %ne3A_355 = arith.xori %lt3A_352, %lt3A_354 : i1
        %and3A_356 = arith.andi %ne3A_355, %ne3A_351 : i1
        %add3A_357 = arith.addi %rem3A_349, %select_n3A_348 : i32
        %select_n3A_358 = arith.select %and3A_356, %add3A_357, %rem3A_349 : i32
        %mul3A_359 = arith.constant 16 : i32
        %mul3A_360 = arith.muli %select_n3A_358, %mul3A_359 : i32
        %get3A = arith.index_cast %select_n3A_343 : i32 to index
        %get3A_361 = arith.index_cast %mul3A_360 : i32 to index
        %get3A_362 = tpu.vector_load %arg9[%get3A, %get3A_361] {strides = array<i32>} : memref<1024x32xf32, #tpu.memory_space<vmem>>, vector<16xf32>,
        %mul3A_363 = arith.mulf %get3A_362, %gather3A : vector<16xf32>
        %jit3A_364 = arith.constant 8 : i32
        %div3A_365 = arith.divsi %scan3A_299, %jit3A_364 : i32
        %sign3A_366 = arith.constant 0 : i32
        %sign3A_367 = arith.cmpi sgt, %scan3A_299, %sign3A_366 : i32
        %sign3A_368 = arith.extui %sign3A_367 : i1 to i32
        %sign3A_369 = arith.constant 0 : i32
        %sign3A_370 = arith.cmpi slt, %scan3A_299, %sign3A_369 : i32
        %sign3A_371 = arith.extui %sign3A_370 : i1 to i32
        %sign3A_372 = arith.subi %sign3A_368, %sign3A_371 : i32
        %sign3A_373 = arith.constant 0 : i32
        %sign3A_374 = arith.cmpi sgt, %jit3A_364, %sign3A_373 : i32
        %sign3A_375 = arith.extui %sign3A_374 : i1 to i32
        %sign3A_376 = arith.constant 0 : i32
        %sign3A_377 = arith.cmpi slt, %jit3A_364, %sign3A_376 : i32
        %sign3A_378 = arith.extui %sign3A_377 : i1 to i32
        %sign3A_379 = arith.subi %sign3A_375, %sign3A_378 : i32
        %ne3A_380 = arith.cmpi ne, %sign3A_372, %sign3A_379 : i32
        %rem3A_381 = arith.remsi %scan3A_299, %jit3A_364 : i32
        %ne3A_382 = arith.constant 0 : i32
        %ne3A_383 = arith.cmpi ne, %rem3A_381, %ne3A_382 : i32
        %and3A_384 = arith.andi %ne3A_380, %ne3A_383 : i1
        %sub3A_385 = arith.constant 1 : i32
        %sub3A_386 = arith.subi %div3A_365, %sub3A_385 : i32
        %select_n3A_387 = arith.select %and3A_384, %sub3A_386, %div3A_365 : i32
        %jit3A_388 = arith.constant 8 : i32
        %eq3A_389 = arith.constant 0 : i32
        %eq3A_390 = arith.cmpi eq, %jit3A_388, %eq3A_389 : i32
        %jit3A_391 = arith.constant 1 : i32
        %select_n3A_392 = arith.select %eq3A_390, %jit3A_391, %jit3A_388 : i32
        %rem3A_393 = arith.remsi %scan3A_299, %select_n3A_392 : i32
        %ne3A_394 = arith.constant 0 : i32
        %ne3A_395 = arith.cmpi ne, %rem3A_393, %ne3A_394 : i32
        %lt3A_396 = arith.constant 0 : i32
        %lt3A_397 = arith.cmpi slt, %rem3A_393, %lt3A_396 : i32
        %lt3A_398 = arith.constant 0 : i32
        %lt3A_399 = arith.cmpi slt, %select_n3A_392, %lt3A_398 : i32
        %ne3A_400 = arith.xori %lt3A_397, %lt3A_399 : i1
        %and3A_401 = arith.andi %ne3A_400, %ne3A_395 : i1
        %add3A_402 = arith.addi %rem3A_393, %select_n3A_392 : i32
        %select_n3A_403 = arith.select %and3A_401, %add3A_402, %rem3A_393 : i32
        %mul3A_404 = arith.constant 16 : i32
        %mul3A_405 = arith.muli %select_n3A_403, %mul3A_404 : i32
        %get3A_406 = arith.index_cast %select_n3A_387 : i32 to index
        %get3A_407 = arith.index_cast %mul3A_405 : i32 to index
        %get3A_408 = tpu.vector_load %arg16[%get3A_406, %get3A_407] {strides = array<i32>} : memref<160x128xf32, #tpu.memory_space<vmem>>, vector<16xf32>,
        %add3A_409 = arith.addf %mul3A_363, %get3A_408 : vector<16xf32>
        %jit3A_410 = arith.constant 8 : i32
        %div3A_411 = arith.divsi %scan3A_299, %jit3A_410 : i32
        %sign3A_412 = arith.constant 0 : i32
        %sign3A_413 = arith.cmpi sgt, %scan3A_299, %sign3A_412 : i32
        %sign3A_414 = arith.extui %sign3A_413 : i1 to i32
        %sign3A_415 = arith.constant 0 : i32
        %sign3A_416 = arith.cmpi slt, %scan3A_299, %sign3A_415 : i32
        %sign3A_417 = arith.extui %sign3A_416 : i1 to i32
        %sign3A_418 = arith.subi %sign3A_414, %sign3A_417 : i32
        %sign3A_419 = arith.constant 0 : i32
        %sign3A_420 = arith.cmpi sgt, %jit3A_410, %sign3A_419 : i32
        %sign3A_421 = arith.extui %sign3A_420 : i1 to i32
        %sign3A_422 = arith.constant 0 : i32
        %sign3A_423 = arith.cmpi slt, %jit3A_410, %sign3A_422 : i32
        %sign3A_424 = arith.extui %sign3A_423 : i1 to i32
        %sign3A_425 = arith.subi %sign3A_421, %sign3A_424 : i32
        %ne3A_426 = arith.cmpi ne, %sign3A_418, %sign3A_425 : i32
        %rem3A_427 = arith.remsi %scan3A_299, %jit3A_410 : i32
        %ne3A_428 = arith.constant 0 : i32
        %ne3A_429 = arith.cmpi ne, %rem3A_427, %ne3A_428 : i32
        %and3A_430 = arith.andi %ne3A_426, %ne3A_429 : i1
        %sub3A_431 = arith.constant 1 : i32
        %sub3A_432 = arith.subi %div3A_411, %sub3A_431 : i32
        %select_n3A_433 = arith.select %and3A_430, %sub3A_432, %div3A_411 : i32
        %jit3A_434 = arith.constant 8 : i32
        %eq3A_435 = arith.constant 0 : i32
        %eq3A_436 = arith.cmpi eq, %jit3A_434, %eq3A_435 : i32
        %jit3A_437 = arith.constant 1 : i32
        %select_n3A_438 = arith.select %eq3A_436, %jit3A_437, %jit3A_434 : i32
        %rem3A_439 = arith.remsi %scan3A_299, %select_n3A_438 : i32
        %ne3A_440 = arith.constant 0 : i32
        %ne3A_441 = arith.cmpi ne, %rem3A_439, %ne3A_440 : i32
        %lt3A_442 = arith.constant 0 : i32
        %lt3A_443 = arith.cmpi slt, %rem3A_439, %lt3A_442 : i32
        %lt3A_444 = arith.constant 0 : i32
        %lt3A_445 = arith.cmpi slt, %select_n3A_438, %lt3A_444 : i32
        %ne3A_446 = arith.xori %lt3A_443, %lt3A_445 : i1
        %and3A_447 = arith.andi %ne3A_446, %ne3A_441 : i1
        %add3A_448 = arith.addi %rem3A_439, %select_n3A_438 : i32
        %select_n3A_449 = arith.select %and3A_447, %add3A_448, %rem3A_439 : i32
        %mul3A_450 = arith.constant 16 : i32
        %mul3A_451 = arith.muli %select_n3A_449, %mul3A_450 : i32
        %swap3A = arith.index_cast %select_n3A_433 : i32 to index
        %swap3A_452 = arith.index_cast %mul3A_451 : i32 to index
        %swap3A_453 = tpu.vector_load %arg16[%swap3A, %swap3A_452] {strides = array<i32>} : memref<160x128xf32, #tpu.memory_space<vmem>>, vector<16xf32>,
        tpu.vector_store %arg16[%swap3A, %swap3A_452], %add3A_409 {strides = array<i32>} : memref<160x128xf32, #tpu.memory_space<vmem>>, vector<16xf32>,
        %scan3A_454 = arith.constant 0 : i32
        scf.yield %scan3A_454 : i32
      }
      %scan3A_298 = arith.constant 1280 : i32
    } else {
    }
    %ne3A = arith.constant 0 : i32
    %ne3A_286 = arith.cmpi ne, %arg0, %ne3A : i32
    %convert_element_type3A_287 = arith.extui %ne3A_286 : i1 to i32
    %cond3A_288 = arith.constant 0 : i32
    %cond3A_289 = arith.cmpi ne, %convert_element_type3A_287, %cond3A_288 : i32
    scf.if %cond3A_289 {
      %scan3A_292 = arith.constant 0 : i32
      %scan3A_293 = arith.constant 0 : i32
      %scan3A_294 = arith.constant 1280 : i32
      %scan3A_295 = arith.addi %scan3A_293, %scan3A_294 : i32
      %scan3A_296 = arith.constant 1 : i32
      %scan3A_297 = scf.for %scan3A_299 = %scan3A_293 to %scan3A_295 step %scan3A_296 iter_args(%scan3A_300 = %scan3A_292) -> (i32)  : i32 {
        %jit3A_301 = arith.constant 2 : i32
        %div3A = arith.divsi %scan3A_299, %jit3A_301 : i32
        %sign3A = arith.constant 0 : i32
        %sign3A_302 = arith.cmpi sgt, %scan3A_299, %sign3A : i32
        %sign3A_303 = arith.extui %sign3A_302 : i1 to i32
        %sign3A_304 = arith.constant 0 : i32
        %sign3A_305 = arith.cmpi slt, %scan3A_299, %sign3A_304 : i32
        %sign3A_306 = arith.extui %sign3A_305 : i1 to i32
        %sign3A_307 = arith.subi %sign3A_303, %sign3A_306 : i32
        %sign3A_308 = arith.constant 0 : i32
        %sign3A_309 = arith.cmpi sgt, %jit3A_301, %sign3A_308 : i32
        %sign3A_310 = arith.extui %sign3A_309 : i1 to i32
        %sign3A_311 = arith.constant 0 : i32
        %sign3A_312 = arith.cmpi slt, %jit3A_301, %sign3A_311 : i32
        %sign3A_313 = arith.extui %sign3A_312 : i1 to i32
        %sign3A_314 = arith.subi %sign3A_310, %sign3A_313 : i32
        %ne3A_315 = arith.cmpi ne, %sign3A_307, %sign3A_314 : i32
        %rem3A = arith.remsi %scan3A_299, %jit3A_301 : i32
        %ne3A_316 = arith.constant 0 : i32
        %ne3A_317 = arith.cmpi ne, %rem3A, %ne3A_316 : i32
        %and3A = arith.andi %ne3A_315, %ne3A_317 : i1
        %sub3A = arith.constant 1 : i32
        %sub3A_318 = arith.subi %div3A, %sub3A : i32
        %select_n3A_319 = arith.select %and3A, %sub3A_318, %div3A : i32
        %broadcast_in_dim3A = vector.broadcast %select_n3A_319 : i32 to vector<16xi32>
        %gather3A = tpu.vector_load_idx %arg14[%broadcast_in_dim3A] : memref<640xf32, #tpu.memory_space<vmem>>[vector<16xi32>], vector<16xf32>,
        %jit3A_320 = arith.constant 2 : i32
        %div3A_321 = arith.divsi %scan3A_299, %jit3A_320 : i32
        %sign3A_322 = arith.constant 0 : i32
        %sign3A_323 = arith.cmpi sgt, %scan3A_299, %sign3A_322 : i32
        %sign3A_324 = arith.extui %sign3A_323 : i1 to i32
        %sign3A_325 = arith.constant 0 : i32
        %sign3A_326 = arith.cmpi slt, %scan3A_299, %sign3A_325 : i32
        %sign3A_327 = arith.extui %sign3A_326 : i1 to i32
        %sign3A_328 = arith.subi %sign3A_324, %sign3A_327 : i32
        %sign3A_329 = arith.constant 0 : i32
        %sign3A_330 = arith.cmpi sgt, %jit3A_320, %sign3A_329 : i32
        %sign3A_331 = arith.extui %sign3A_330 : i1 to i32
        %sign3A_332 = arith.constant 0 : i32
        %sign3A_333 = arith.cmpi slt, %jit3A_320, %sign3A_332 : i32
        %sign3A_334 = arith.extui %sign3A_333 : i1 to i32
        %sign3A_335 = arith.subi %sign3A_331, %sign3A_334 : i32
        %ne3A_336 = arith.cmpi ne, %sign3A_328, %sign3A_335 : i32
        %rem3A_337 = arith.remsi %scan3A_299, %jit3A_320 : i32
        %ne3A_338 = arith.constant 0 : i32
        %ne3A_339 = arith.cmpi ne, %rem3A_337, %ne3A_338 : i32
        %and3A_340 = arith.andi %ne3A_336, %ne3A_339 : i1
        %sub3A_341 = arith.constant 1 : i32
        %sub3A_342 = arith.subi %div3A_321, %sub3A_341 : i32
        %select_n3A_343 = arith.select %and3A_340, %sub3A_342, %div3A_321 : i32
        %jit3A_344 = arith.constant 2 : i32
        %eq3A_345 = arith.constant 0 : i32
        %eq3A_346 = arith.cmpi eq, %jit3A_344, %eq3A_345 : i32
        %jit3A_347 = arith.constant 1 : i32
        %select_n3A_348 = arith.select %eq3A_346, %jit3A_347, %jit3A_344 : i32
        %rem3A_349 = arith.remsi %scan3A_299, %select_n3A_348 : i32
        %ne3A_350 = arith.constant 0 : i32
        %ne3A_351 = arith.cmpi ne, %rem3A_349, %ne3A_350 : i32
        %lt3A = arith.constant 0 : i32
        %lt3A_352 = arith.cmpi slt, %rem3A_349, %lt3A : i32
        %lt3A_353 = arith.constant 0 : i32
        %lt3A_354 = arith.cmpi slt, %select_n3A_348, %lt3A_353 : i32
        %ne3A_355 = arith.xori %lt3A_352, %lt3A_354 : i1
        %and3A_356 = arith.andi %ne3A_355, %ne3A_351 : i1
        %add3A_357 = arith.addi %rem3A_349, %select_n3A_348 : i32
        %select_n3A_358 = arith.select %and3A_356, %add3A_357, %rem3A_349 : i32
        %mul3A_359 = arith.constant 16 : i32
        %mul3A_360 = arith.muli %select_n3A_358, %mul3A_359 : i32
        %get3A = arith.index_cast %select_n3A_343 : i32 to index
        %get3A_361 = arith.index_cast %mul3A_360 : i32 to index
        %get3A_362 = tpu.vector_load %arg9[%get3A, %get3A_361] {strides = array<i32>} : memref<1024x32xf32, #tpu.memory_space<vmem>>, vector<16xf32>,
        %mul3A_363 = arith.mulf %get3A_362, %gather3A : vector<16xf32>
        %jit3A_364 = arith.constant 8 : i32
        %div3A_365 = arith.divsi %scan3A_299, %jit3A_364 : i32
        %sign3A_366 = arith.constant 0 : i32
        %sign3A_367 = arith.cmpi sgt, %scan3A_299, %sign3A_366 : i32
        %sign3A_368 = arith.extui %sign3A_367 : i1 to i32
        %sign3A_369 = arith.constant 0 : i32
        %sign3A_370 = arith.cmpi slt, %scan3A_299, %sign3A_369 : i32
        %sign3A_371 = arith.extui %sign3A_370 : i1 to i32
        %sign3A_372 = arith.subi %sign3A_368, %sign3A_371 : i32
        %sign3A_373 = arith.constant 0 : i32
        %sign3A_374 = arith.cmpi sgt, %jit3A_364, %sign3A_373 : i32
        %sign3A_375 = arith.extui %sign3A_374 : i1 to i32
        %sign3A_376 = arith.constant 0 : i32
        %sign3A_377 = arith.cmpi slt, %jit3A_364, %sign3A_376 : i32
        %sign3A_378 = arith.extui %sign3A_377 : i1 to i32
        %sign3A_379 = arith.subi %sign3A_375, %sign3A_378 : i32
        %ne3A_380 = arith.cmpi ne, %sign3A_372, %sign3A_379 : i32
        %rem3A_381 = arith.remsi %scan3A_299, %jit3A_364 : i32
        %ne3A_382 = arith.constant 0 : i32
        %ne3A_383 = arith.cmpi ne, %rem3A_381, %ne3A_382 : i32
        %and3A_384 = arith.andi %ne3A_380, %ne3A_383 : i1
        %sub3A_385 = arith.constant 1 : i32
        %sub3A_386 = arith.subi %div3A_365, %sub3A_385 : i32
        %select_n3A_387 = arith.select %and3A_384, %sub3A_386, %div3A_365 : i32
        %jit3A_388 = arith.constant 8 : i32
        %eq3A_389 = arith.constant 0 : i32
        %eq3A_390 = arith.cmpi eq, %jit3A_388, %eq3A_389 : i32
        %jit3A_391 = arith.constant 1 : i32
        %select_n3A_392 = arith.select %eq3A_390, %jit3A_391, %jit3A_388 : i32
        %rem3A_393 = arith.remsi %scan3A_299, %select_n3A_392 : i32
        %ne3A_394 = arith.constant 0 : i32
        %ne3A_395 = arith.cmpi ne, %rem3A_393, %ne3A_394 : i32
        %lt3A_396 = arith.constant 0 : i32
        %lt3A_397 = arith.cmpi slt, %rem3A_393, %lt3A_396 : i32
        %lt3A_398 = arith.constant 0 : i32
        %lt3A_399 = arith.cmpi slt, %select_n3A_392, %lt3A_398 : i32
        %ne3A_400 = arith.xori %lt3A_397, %lt3A_399 : i1
        %and3A_401 = arith.andi %ne3A_400, %ne3A_395 : i1
        %add3A_402 = arith.addi %rem3A_393, %select_n3A_392 : i32
        %select_n3A_403 = arith.select %and3A_401, %add3A_402, %rem3A_393 : i32
        %mul3A_404 = arith.constant 16 : i32
        %mul3A_405 = arith.muli %select_n3A_403, %mul3A_404 : i32
        %swap3A = arith.index_cast %select_n3A_387 : i32 to index
        %swap3A_406 = arith.index_cast %mul3A_405 : i32 to index
        %swap3A_407 = tpu.vector_load %arg16[%swap3A, %swap3A_406] {strides = array<i32>} : memref<160x128xf32, #tpu.memory_space<vmem>>, vector<16xf32>,
        tpu.vector_store %arg16[%swap3A, %swap3A_406], %mul3A_363 {strides = array<i32>} : memref<160x128xf32, #tpu.memory_space<vmem>>, vector<16xf32>,
        %scan3A_408 = arith.constant 0 : i32
        scf.yield %scan3A_408 : i32
      }
      %scan3A_298 = arith.constant 1280 : i32
    } else {
    }
    %mul3A_290 = arith.constant 160 : i32
    %mul3A_291 = arith.muli %arg1, %mul3A_290 : i32
    "tpu.region"() ({
      %run_scoped3A = tpu.sem_alloc : memref<!tpu.dma_semaphore, #tpu.memory_space<semaphore_mem>>
      %dma_start3A_292 = arith.constant 0 : i32
      %dma_start3A_293 = tpu.memref_slice %arg4[%arg0, %mul3A_291, %dma_start3A_292] : memref<2x2560x128xf32, #tpu.memory_space<hbm>> -> memref<1x160x128xf32, #tpu.memory_space<hbm>>
      %dma_start3A_294 = tpu.memref_squeeze %dma_start3A_293 : memref<1x160x128xf32, #tpu.memory_space<hbm>> -> memref<160x128xf32, #tpu.memory_space<hbm>>
      %dma_start3A_295 = arith.constant 0 : i32
      %dma_start3A_296 = tpu.memref_slice %arg4[%arg0, %mul3A_291, %dma_start3A_295] : memref<2x2560x128xf32, #tpu.memory_space<hbm>> -> memref<1x160x128xf32, #tpu.memory_space<hbm>>
      %dma_start3A_297 = tpu.memref_squeeze %dma_start3A_296 : memref<1x160x128xf32, #tpu.memory_space<hbm>> -> memref<160x128xf32, #tpu.memory_space<hbm>>
      tpu.enqueue_dma source(%arg16 : memref<160x128xf32, #tpu.memory_space<vmem>>) target(%dma_start3A_297 : memref<160x128xf32, #tpu.memory_space<hbm>>) target_semaphore(%run_scoped3A : memref<!tpu.dma_semaphore, #tpu.memory_space<semaphore_mem>>)
      %dma_wait3A_298 = arith.constant 0 : i32
      %dma_wait3A_299 = tpu.memref_slice %arg4[%arg0, %mul3A_291, %dma_wait3A_298] : memref<2x2560x128xf32, #tpu.memory_space<hbm>> -> memref<1x160x128xf32, #tpu.memory_space<hbm>>
      %dma_wait3A_300 = tpu.memref_squeeze %dma_wait3A_299 : memref<1x160x128xf32, #tpu.memory_space<hbm>> -> memref<160x128xf32, #tpu.memory_space<hbm>>
      %dma_wait3A_301 = arith.constant 0 : i32
      %dma_wait3A_302 = tpu.memref_slice %arg4[%arg0, %mul3A_291, %dma_wait3A_301] : memref<2x2560x128xf32, #tpu.memory_space<hbm>> -> memref<1x160x128xf32, #tpu.memory_space<hbm>>
      %dma_wait3A_303 = tpu.memref_squeeze %dma_wait3A_302 : memref<1x160x128xf32, #tpu.memory_space<hbm>> -> memref<160x128xf32, #tpu.memory_space<hbm>>
      tpu.wait_dma2 semaphore(%run_scoped3A : memref<!tpu.dma_semaphore, #tpu.memory_space<semaphore_mem>>) src(%arg16 : memref<160x128xf32, #tpu.memory_space<vmem>>) dst(%dma_wait3A_303 : memref<160x128xf32, #tpu.memory_space<hbm>>)
      tpu.yield
    }) : () -> ()
    return
  }
}

</mosaic_0001>

<sc_bundles>
// kernel: _sc_layer1.3.cloned.1.call-start
scs
__scs_entry_jumppad:
0x0: {  	(pc) =	sbr.rel $0x88, $3  }
0x1: {  	(tag) =	ssettag $0x0;
	lr =	simm.s32 $0x1  }
0x2: {  	[smem:$0x3F9F] =	sst lr;
	_ =	strace $0xD0000000  }
0x3: {  	_ = 	snop  }
0x4: {  	_ = 	snop  }
0x5: {  	_ = 	snop  }
0x6: {  	_ = 	snop  }
0x7: {  	_ = 	snop  }
__scs_overlays_trampoline_lowered:
0x8: {  	[smem:$0x3FAE] =	sst s0  }
0x9: {  	[smem:$0x3FAF] =	sst s1  }
0xa: {  	[smem:$0x3FB0] =	sst s2  }
0xb: {  	[smem:$0x3FB1] =	sst s3  }
0xc: {  	[smem:$0x3FB2] =	sst s4  }
0xd: {  	[smem:$0x3FB3] =	sst s5  }
0xe: {  	[smem:$0x3FB4] =	sst s6  }
0xf: {  	[smem:$0x3FB5] =	sst s7  }
0x10: {  	[smem:$0x3FB6] =	sst s8  }
0x11: {  	[smem:$0x3FB7] =	sst s9;
	s0 =	simm.s32 @!p0 $0x0  }
0x12: {  	s1 =	sld [smem:$0x3F9D];
	s0 =	simm.s32 @p0 $0x1  }
0x13: {  	[smem:$0x3FB8] =	sst s0;
	s0 =	simm.s32 @!p1 $0x0  }
0x14: {  	s2 =	sld [smem:$0x3F9C];
	s0 =	simm.s32 @p1 $0x1  }
0x15: {  	[smem:$0x3FB9] =	sst s0;
	s0 =	simm.s32 @!p2 $0x0  }
0x16: {  	s3 =	sld [smem:$0x3FDB];
	s0 =	simm.s32 @p2 $0x1  }
0x17: {  	s4 =	simm.s32 $0x1BF5;
	[smem:$0x3FBB] =	sst s0  }
0x18: {  	s0 =	sld [smem:$0x3F9E];
	_ =	swait.ge [sflag:s4], $0x0  }
0x19: {  	s7 =	sld [smem:$0x3F9F]  }
0x1a: {  	s8 =	sadd.s32 $0xFFFFE003, lr  }
0x1b: {  	s9 =	sadd.s32 $0xFFFFFEF7, lr;
	s5 =	simm.s32 $0xFFFFFFFF;
	p2 =	slt.u32 s8, $0xFFFFF086  }
0x1c: {  	p1 =	slt.u32 s9, $0xF7A;
	s5 =	simm.s32 @!p2 $0x0  }
0x1d: {  	s5 =	simm.s32 @p1 $0x1;
	p0 =	seq.s32 s7, s2  }
0x1e: {  	s7 =	smul.u32 @!p0 $0xF7A, s2;
	p2 =	seq.s32 @!p0 s5, $0x0  }
0x1f: {  	s9 =	smul.u32 $0xF7A, s1;
	s8 =	simm.s32 @!p0 $0x1BF5;
	p2 =	por !p2, p0  }
0x20: {  	[sflag:s8] =	ssyncset.s32 @!p0 $0xFFFFF086;
	s6 =	sadd.s32 @!p0 s3, s7;
	s7 =	simm.s32 @!p0 $0x108  }
0x21: {  	s3 =	sadd.s32 s3, s9;
	s6 =	sadd.s32 @!p0 $0x88, s6;
	s7 =	simm.s32 @p2 $0x1082  }
0x22: {  	[simem:s7], [sflag:s8] =	dma.local @!p0 [hbm:s6], $0xF7A  }
0x23: {  	s9 =	sor.u32 $0xD0000000, s2;
	s6 =	simm.s32 $0x108;
	_ =	swait.ge @!p0 [sflag:s8], $0x0  }
0x24: {  	s3 =	sadd.s32 $0x88, s3;
	s6 =	simm.s32 @!p1 $0x1082;
	[sflag:s4] =	ssyncset.s32 $0xFFFFF086  }
0x25: {  	[simem:s6], [sflag:s4] =	dma.local [hbm:s3], $0xF7A  }
0x26: {  	[smem:$0x3F9F] =	sst s1;
	(tag) =	ssettag s2;
	_ =	strace s9  }
0x27: {  	s1 =	sld [smem:$0x3FAF]  }
0x28: {  	s2 =	sld [smem:$0x3FB0]  }
0x29: {  	s4 =	sld [smem:$0x3FB2]  }
0x2a: {  	p0 =	seq.s32 s5, $0x0;
	s5 =	sld [smem:$0x3FB3]  }
0x2b: {  	s6 =	sld [smem:$0x3FB4]  }
0x2c: {  	s7 =	sld [smem:$0x3FB5]  }
0x2d: {  	s3 =	simm.s32 $0x108;
	s8 =	sld [smem:$0x3FB6]  }
0x2e: {  	s3 =	simm.s32 @!p0 $0x1082;
	s9 =	sld [smem:$0x3FB7]  }
0x2f: {  	lr =	sadd.s32 s0, s3;
	s0 =	sld [smem:$0x3FAE]  }
0x30: {  	s3 =	sld [smem:$0x3FB1]  }
0x31: {  	[smem:$0x3FBA] =	sst s10  }
0x32: {  	s10 =	sld [smem:$0x3FB8];
	_ =	sdelay $0x3  }
0x33: {  	p0 =	seq.s32 s10, $0x1;
	s10 =	sld [smem:$0x3FBA];
	_ =	sdelay $0x3  }
0x34: {  	[smem:$0x3FBA] =	sst s10  }
0x35: {  	s10 =	sld [smem:$0x3FB9];
	_ =	sdelay $0x3  }
0x36: {  	p1 =	seq.s32 s10, $0x1;
	s10 =	sld [smem:$0x3FBA];
	_ =	sdelay $0x3  }
0x37: {  	[smem:$0x3FBA] =	sst s10  }
0x38: {  	s10 =	sld [smem:$0x3FBB]  }
0x39: {  	_ = 	snop;
	(pc) =	sbr.ind lr, $3  }
0x3a: {  	_ = 	snop  }
0x3b: {  	_ = 	snop  }
0x3c: {  	p2 =	seq.s32 s10, $0x1;
	s10 =	sld [smem:$0x3FBA]  }
0x3d: {  	_ =	shalt  }
0x3e: {  	_ =	shalt  }
0x3f: {  	_ =	shalt  }
0x40: {  	_ =	shalt  }
0x41: {  	_ =	shalt  }
0x42: {  	_ =	shalt  }
0x43: {  	_ =	shalt  }
0x44: {  	_ =	shalt  }
0x45: {  	_ =	shalt  }
0x46: {  	_ =	shalt  }
0x47: {  	_ =	shalt  }
0x48: {  	_ =	shalt  }
0x49: {  	_ =	shalt  }
0x4a: {  	_ =	shalt  }
0x4b: {  	_ =	shalt  }
0x4c: {  	_ =	shalt  }
0x4d: {  	_ =	shalt  }
0x4e: {  	_ =	shalt  }
0x4f: {  	_ =	shalt  }
0x50: {  	_ =	shalt  }
0x51: {  	_ =	shalt  }
0x52: {  	_ =	shalt  }
0x53: {  	_ =	shalt  }
0x54: {  	_ =	shalt  }
0x55: {  	_ =	shalt  }
0x56: {  	_ =	shalt  }
0x57: {  	_ =	shalt  }
0x58: {  	_ =	shalt  }
0x59: {  	_ =	shalt  }
0x5a: {  	_ =	shalt  }
0x5b: {  	_ =	shalt  }
0x5c: {  	_ =	shalt  }
0x5d: {  	_ =	shalt  }
0x5e: {  	_ =	shalt  }
0x5f: {  	_ =	shalt  }
0x60: {  	_ =	shalt  }
0x61: {  	_ =	shalt  }
0x62: {  	_ =	shalt  }
0x63: {  	_ =	shalt  }
0x64: {  	_ =	shalt  }
0x65: {  	_ =	shalt  }
0x66: {  	_ =	shalt  }
0x67: {  	_ =	shalt  }
0x68: {  	_ =	shalt  }
0x69: {  	_ =	shalt  }
0x6a: {  	_ =	shalt  }
0x6b: {  	_ =	shalt  }
0x6c: {  	_ =	shalt  }
0x6d: {  	_ =	shalt  }
0x6e: {  	_ =	shalt  }
0x6f: {  	_ =	shalt  }
0x70: {  	_ =	shalt  }
0x71: {  	_ =	shalt  }
0x72: {  	_ =	shalt  }
0x73: {  	_ =	shalt  }
0x74: {  	_ =	shalt  }
0x75: {  	_ =	shalt  }
0x76: {  	_ =	shalt  }
0x77: {  	_ =	shalt  }
0x78: {  	_ =	shalt  }
0x79: {  	_ =	shalt  }
0x7a: {  	_ =	shalt  }
0x7b: {  	_ =	shalt  }
0x7c: {  	_ =	shalt  }
0x7d: {  	_ =	shalt  }
0x7e: {  	_ =	shalt  }
0x7f: {  	_ =	shalt  }
0x80: {  	_ =	shalt  }
0x81: {  	_ =	shalt  }
0x82: {  	_ =	shalt  }
0x83: {  	_ =	shalt  }
0x84: {  	_ =	shalt  }
0x85: {  	_ =	shalt  }
0x86: {  	_ =	shalt  }
0x87: {  	_ =	shalt  }
.Lfunc_end0:
.L_simem_size_0:
called_computation_lowered:
.L_overlay_start_0:
0x88: {  	s2 =	sld [smem:$0x3FD9]  }
0x89: {  	s3 =	sld [smem:$0x3FFE];
	_ =	sdelay $0x1  }
0x8a: {  	s1 =	srdreg.scid  }
0x8b: {  	s0 =	sand.u32 $0x1, s1  }
0x8c: {  	s14 =	sshll.u32 s0, $0xA;
	s2 =	sadd.s32 s3, s2  }
0x8d: {  	s2 =	sadd.s32 s2, s14  }
0x8e: {  	[smem:$0x3FC6] =	sst s2  }
0x8f: {  	_ = 	snop  }
0x90: {  	s2 =	sld [smem:$0x3FD0];
	_ =	sdelay $0x2  }
0x91: {  	s15 =	simm.s32 $0xA;
	s4 =	simm.s32 $0x10  }
0x92: {  	[smem:s4], [sflag:s15] =	dma.local [hbm:s2], $0x1  }
0x93: {  	_ =	swait.eq [sflag:s15], $0x1  }
0x94: {  	s16 =	sld [smem:$0x10];
	[sflag:s15] =	ssyncset.done $0x0  }
0x95: {  	s17 =	sld [smem:$0x11];
	[sflag:s15] =	ssyncadd.s32 $0xFFFFFFFF  }
0x96: {  	s18 =	sld [smem:$0x12];
	(tm) =	ssettm $0x1  }
0x97: {  	s5 =	sld [smem:$0x3FFB];
	_ =	sdelay $0x3  }
0x98: {  	_ =	strace s5  }
0x99: {  	s5 =	sld [smem:$0x3FFC];
	_ =	sdelay $0x3  }
0x9a: {  	_ =	strace s5  }
0x9b: {  	s5 =	sld [smem:$0x3FFD];
	_ =	sdelay $0x3  }
0x9c: {  	_ =	strace s5  }
0x9d: {  	_ =	strace $0x8FFFFFFF  }
0x9e: {  	s19 =	sld [smem:$0x3FDB];
	_ =	sdelay $0x1  }
0x9f: {  	s6 =	simm.s32 $_scs_section_size  }
0xa0: {  	s7 =	simm.s32 $_size__tile_overlayer_lowered;
	s8 =	simm.s32 $_tile_overlayer_lowered  }
0xa1: {  	s22 =	simm.s32 $0x1BFF;
	s21 =	sshll.u32 s8, $0x1;
	s5 =	sadd.s32 s6, s19  }
0xa2: {  	s9 =	simm.s32 $0x0;
	s20 =	sshll.u32 s7, $0x1;
	s7 =	sadd.s32 s21, s5  }
0xa3: {  	[timem:s9], [sflag:s22] =	dma.local [hbm:s7], s20  }
0xa4: {  	_ =	swait.ge [sflag:s22], s20  }
0xa5: {  	s6 =	ssub.s32 $0x0, s20;
	[sflag:s22] =	ssyncset.done $0x0  }
0xa6: {  	[sflag:s22] =	ssyncadd.s32 s6;
	_ =	sdelay $0x1  }
0xa7: {  	s23 =	simm.s32 $0x1B8B  }
0xa8: {  	_ =	swait.ge [sflag:s23], $0x1  }
0xa9: {  	[sflag:s23] =	ssyncset.done $0x0  }
0xaa: {  	s25 =	simm.s32 $0x1B8E;
	s24 =	sld [smem:$0x3FFE];
	[sflag:s23] =	ssyncadd.s32 $0xFFFFFFFF  }
0xab: {  	s26 =	simm.s32 $execute0_lowered;
	[smem:$0x3FD2] =	sst s25  }
0xac: {  	s7 =	sshll.u32 s26, $0x1;
	_ =	strace $0x80000046;
	[dreg:$0x1] =	wrdreg $0xFFFFFFFF  }
0xad: {  	s28 =	simm.s32 $_size_execute0_lowered;
	s5 =	sadd.s32 s5, s7;
	[dreg:$0x0] =	wrdreg $0x0  }
0xae: {  	s7 =	sshll.u32 s28, $0x1;
	[dreg:$0x2] =	wrdreg s5  }
0xaf: {  	[dreg:$0x3] =	wrdreg s7  }
0xb0: {  	[dreg:$0x4] =	wrdreg $0xC0  }
0xb1: {  	_ =	task [dreg:s9], $0x5FFFF  }
0xb2: {  	[dreg:$0x1] =	wrdreg $0xFFFFFFFF  }
0xb3: {  	[dreg:$0x0] =	wrdreg $0x60  }
0xb4: {  	[dreg:$0x2] =	wrdreg s24  }
0xb5: {  	[dreg:$0x3] =	wrdreg s16  }
0xb6: {  	[dreg:$0x4] =	wrdreg s17  }
0xb7: {  	[dreg:$0x5] =	wrdreg s18  }
0xb8: {  	[dreg:$0x6] =	wrdreg $0x188800  }
0xb9: {  	[dreg:$0x7] =	wrdreg $0x186000  }
0xba: {  	[dreg:$0x8] =	wrdreg $0x9  }
0xbb: {  	_ =	task.clear_ibuf [dreg:s9], $0x9FFFF;
	_ =	strace $0x90000046  }
0xbc: {  	s29 =	simm.s32 $0x9;
	_ =	strace $0x80000048  }
0xbd: {  	_ =	swait.ge [sflag:s29], $0x1  }
0xbe: {  	[sflag:s29] =	ssyncadd.s32 $0xFFFFFFFF  }
0xbf: {  	_ =	strace $0x90000048  }
0xc0: {  	_ =	sfence  }
0xc1: {  	s30 =	sld [smem:$0x0];
	_ =	sdelay $0x2  }
0xc2: {  	s31 =	sshll.u32 s1, $0xD;
	s1 =	sshrl.u32 s1, $0x2  }
0xc3: {  	s3 =	sand.u32 $0x4000, s31;
	s1 =	sadd.s32 s1, s30  }
0xc4: {  	s0 =	sor.u32 s3, s0;
	s1 =	sshll.u32 s1, $0x11  }
0xc5: {  	s0 =	sor.u32 s1, s0  }
0xc6: {  	s0 =	sadd.s32 $0x8F2B, s0  }
0xc7: {  	[sflag:s0] =	ssyncadd.remote.s32 $0x1  }
0xc8: {  	_ =	sfence.sel $0xFFFF  }
0xc9: {  	[dreg:$0x0] =	wrdreg $0xFFFFFFFF;
	(pc) =	sbr.abs _section_cstart, $3  }
0xca: {  	[dreg:$0x1] =	wrdreg $0xFFFFFFFF  }
0xcb: {  	_ =	task.clear_ibuf [dreg:s9], $0x2FFFF;
	_ =	strace $0x9FFFFFFF  }
0xcc: {  	(tm) =	ssettm $0x7FFFFFFF  }
0xcd: {  	_ =	shalt  }
tec
execute0_lowered:
.L_overlay_start_1:
0x0: {  	(tag) =	ssettag $0x1  }
0x1: {  	s0 =	rddreg [dreg:$0x0]  }
0x2: {  	s1 =	rddreg [dreg:$0x1]  }
0x3: {  	s5 =	rddreg [dreg:$0x2]  }
0x4: {  	s8 =	rddreg [dreg:$0x3]  }
0x5: {  	s2 =	rddreg [dreg:$0x4]  }
0x6: {  	s17 =	stileid.u32;
	s3 =	rddreg [dreg:$0x5]  }
0x7: {  	s4 =	simm.s32 $0x0;
	s6 =	srdreg.scid;
	s10 =	smul.u32 $0x5000, s17  }
0x8: {  	[smem:$0x7FF] =	sst s4;
	s12 =	sand.u32 $0x1, s6;
	s14 =	smul.u32 $0x280, s17  }
0x9: {  	p0 =	seq.s32 s17, $0xF;
	s23 =	smul.u32 $0x2800, s17;
	_ =	strace $0x80000047  }
0xa: {  	s6 =	ssub.s32 $0x2, s12;
	s11 =	sshll.u32 s12, $0x4;
	s16 =	smul.u32 $0x50000, s12  }
0xb: {  	s20 =	smul.u32 $0x28000, s12;
	s7 =	sshrl.u32 s10, $0x3;
	s24 =	sshrl.u32 s6, $0x1  }
0xc: {  	s11 =	sor.u32 s17, s11;
	s15 =	sshrl.u32 s14, $0x3;
	s22 =	sadd.s32 s14, s3  }
0xd: {  	s19 =	sadd.s32 $0x80, s14;
	[dreg:$0x7] =	wrdreg s7;
	s9 =	sadd.s32 s7, s0  }
0xe: {  	s0 =	sadd.s32 $0xA00, s0;
	s13 =	ssub.s32 s6, s24;
	s6 =	simm.s32 $0x14  }
0xf: {  	s7 =	simm.s32 $0x14;
	s5 =	sadd.s32 s5, s15;
	s25 =	sshrl.u32 s16, $0x3  }
0x10: {  	s26 =	sadd.s32 s10, s16;
	s15 =	sadd.s32 s10, s2;
	s16 =	smul.u32 $0x14000, s17  }
0x11: {  	s21 =	sshll.u32 s19, $0x5;
	s10 =	simm.s32 $0x1;
	s7 =	simm.s32 @!p0 $0x50  }
0x12: {  	s9 =	sadd.s32 $0x14400, s9;
	[dreg:$0x9] =	wrdreg s5;
	p0 =	seq.s32 s11, $0x1F  }
0x13: {  	s11 =	sadd.s32 s8, s25;
	[dreg:$0xa] =	wrdreg s15;
	s18 =	smax.u32 s13, $0x1  }
0x14: {  	s24 =	sadd.s32 s21, s2;
	s25 =	sadd.s32 $0x100, s14;
	s8 =	sadd.s32 s23, s20  }
0x15: {  	s5 =	sadd.s32 s19, s3;
	s19 =	sadd.s32 $0x180, s14;
	s21 =	sadd.s32 $0x200, s14  }
0x16: {  	s13 =	simm.s32 $0xE000;
	s14 =	simm.s32 $0xE380;
	[dreg:$0x8] =	wrdreg s9  }
0x17: {  	s15 =	simm.s32 $0x5000;
	s6 =	simm.s32 @!p0 $0x50;
	[dreg:$0xc] =	wrdreg s18  }
0x18: {  	s9 =	sshrl.u32 s26, $0x3;
	[dreg:$0xe] =	wrdreg s24;
	s26 =	sshll.u32 s25, $0x5  }
0x19: {  	[dreg:$0xf] =	wrdreg s5;
	p0 =	sne.s32 s12, $0x0;
	s20 =	sshll.u32 s19, $0x5  }
0x1a: {  	s24 =	sshll.u32 s21, $0x5;
	s29 =	sadd.s32 $0x50, s7;
	s12 =	simm.s32 $0x80  }
0x1b: {  	s1 =	sadd.s32 s1, s9;
	s9 =	smul.u32 $0x500, s17;
	s17 =	sadd.s32 $0x4E200, s8  }
0x1c: {  	s8 =	sshrl.u32 s8, $0x3;
	s23 =	sadd.s32 s20, s2;
	s30 =	sshll.u32 s6, $0x1  }
0x1d: {  	s31 =	sadd.s32 $0xFFFFFFFB, s6;
	[dreg:$0xb] =	wrdreg s1;
	s1 =	sshrl.u32 s16, $0x2  }
0x1e: {  	s16 =	sadd.s32 s26, s2;
	s5 =	sshrl.u32 s17, $0x3;
	[dreg:$0x14] =	wrdreg s23  }
0x1f: {  	s8 =	sadd.s32 s8, s0;
	s26 =	sadd.s32 s21, s3;
	[dreg:$0x10] =	wrdreg s16  }
0x20: {  	s1 =	sadd.s32 s1, s2;
	s18 =	sadd.s32 s9, s0;
	[dreg:$0x11] =	wrdreg s8  }
0x21: {  	s0 =	sadd.s32 s5, s0;
	[dreg:$0x17] =	wrdreg s26;
	s8 =	simm.s32 $0x2  }
.Ltmp0:
0x22: {  	s5 =	simm.s32 $0x4;
	[dreg:$0xd] =	wrdreg s1;
	(pc) =	sbr.rel .LBB2_1-.Ltmp0, $4  }
0x23: {  	[dreg:$0x12] =	wrdreg s0;
	s1 =	sadd.s32 s25, s3;
	s0 =	sadd.s32 s19, s3  }
0x24: {  	s25 =	sadd.s32 s24, s2;
	s26 =	sadd.s32 $0x9C40, s18;
	[dreg:$0x13] =	wrdreg s1  }
0x25: {  	s28 =	sadd.s32 $0xEC40, s18;
	s18 =	simm.s32 $0x0;
	[dreg:$0x15] =	wrdreg s0  }
0x26: {  	v0 =	vimm.f32 $1.000000000e+00;
	v1 =	vimm.f32 $0.0e+00;
	[dreg:$0x16] =	wrdreg s25;
	s1 =	simm.s32 $0xD000;
	s0 =	simm.s32 $0xE080  }
.LBB2_37:
0x27: {  	v4 =	vmov s23;
	s9 =	sadd.s32 $0x40, s19  }
0x28: {  	s17 =	sand.u32 $0x1FE00, s9  }
0x29: {  	v2 =	vmul.f32 v3, v2;
	s23 =	sand.u32 $0x70, s21;
	s17 =	sshrl.u32 s17, $0x2  }
0x2a: {  	s16 =	sshll.u32 s16, $0x4;
	s24 =	sadd.s32 $0x10, s21;
	s17 =	sor.u32 s23, s17  }
0x2b: {  	s21 =	sand.u32 $0x10, s24;
	s16 =	sand.u32 $0x3FFFFFE0, s16;
	[tilespmem:s17+$0x13600] =	vst v2  }
0x2c: {  	s16 =	sor.u32 s21, s16;
	v2 =	vld.idx.msk [tilespmem:v4+s14+$0x0], $0xffff  }
0x2d: {  	v3 =	vld [tilespmem:s16+$0x5000];
	_ =	sdelay $0x2  }
0x2e: {  	s9 =	sadd.s32 $0x40, s9  }
0x2f: {  	s9 =	sand.u32 $0x1FE00, s9  }
0x30: {  	s25 =	sand.u32 $0x70, s24;
	s9 =	sshrl.u32 s9, $0x2;
	v2 =	vmul.f32 v3, v2  }
0x31: {  	s9 =	sor.u32 s25, s9  }
0x32: {  	[tilespmem:s9+$0x13600] =	vst v2  }
.LBB2_38:
0x33: {  	s9 =	rddreg [dreg:$0xb];
	s16 =	simm.s32 $0x13600  }
0x34: {  	[hbm4b:s9+s4] =	stream.linear.scatter [tilespmem:s16], [sflag:$0x4], $0x5000, $0x38;
	[tilespmem:$0x1D880] =	vst v63  }
0x35: {  	_ =	swait.ge [sflag:s5], $0x5000  }
0x36: {  	s18 =	sadd.s32 $0x1, s18;
	s25 =	rddreg [dreg:$0xc]  }
0x37: {  	p1 =	sne.s32 s18, s25  }
.Ltmp1:
0x38: {  	_ = 	snop;
	(pc) =	sbr.rel @!p1 .LBB2_39-.Ltmp1, $3  }
0x39: {  	_ =	sdelay $0x1  }
0x3a: {  	[sflag:s5] =	ssyncset.done $0x0  }
0x3b: {  	s22 =	smov.u32 s20;
	[sflag:s5] =	ssyncadd.s32 $0xFFFFB000  }
.LBB2_1:
0x3c: {  	[tilespmem:$0xE000] =	vst v0  }
0x3d: {  	[tilespmem:$0xE080] =	vst v1  }
0x3e: {  	[tilespmem:$0xE010] =	vst v0  }
0x3f: {  	[tilespmem:$0xE090] =	vst v1  }
0x40: {  	[tilespmem:$0xE020] =	vst v0  }
0x41: {  	[tilespmem:$0xE0A0] =	vst v1  }
0x42: {  	[tilespmem:$0xE030] =	vst v0  }
0x43: {  	[tilespmem:$0xE0B0] =	vst v1  }
0x44: {  	[tilespmem:$0xE040] =	vst v0  }
0x45: {  	[tilespmem:$0xE0C0] =	vst v1  }
0x46: {  	[tilespmem:$0xE050] =	vst v0  }
0x47: {  	[tilespmem:$0xE0D0] =	vst v1  }
0x48: {  	[tilespmem:$0xE060] =	vst v0  }
0x49: {  	[tilespmem:$0xE0E0] =	vst v1  }
0x4a: {  	[tilespmem:$0xE070] =	vst v0  }
0x4b: {  	[tilespmem:$0xE0F0] =	vst v1;
	s16 =	simm.s32 $0x80;
	s19 =	simm.s32 $0x0  }
.LBB2_2:
0x4c: {  	p1 =	sne.s32 s16, $0x3F80;
	[tilespmem:s19+$0xD000] =	vst v1;
	s21 =	smov.u32 s16;
	s16 =	sadd.s32 $0x80, s16  }
.Ltmp2:
0x4d: {  	[tilespmem:s19+$0xD010] =	vst v1;
	(pc) =	sbr.rel @p1 .LBB2_2-.Ltmp2, $2  }
0x4e: {  	_ =	sdelay $0x2  }
0x4f: {  	s19 =	sshra.s32 s21, $0x2  }
0x50: {  	[tilespmem:s19+$0xD000] =	vst v1  }
0x51: {  	[tilespmem:s19+$0xD010] =	vst v1;
	s9 =	rddreg [dreg:$0xd]  }
0x52: {  	[spmem:s9] =	stream.linear.scatter [tilespmem:s1], [sflag:$0x2], $0x1000, $0x38;
	[tilespmem:$0x1D880] =	vst v63  }
0x53: {  	_ = 	snop  }
0x54: {  	[spmem:s22] =	stream.linear.scatter [tilespmem:s0], [sflag:$0x2], $0x80, $0x38;
	[tilespmem:$0x1D880] =	vst v63  }
0x55: {  	s16 =	rddreg [dreg:$0xe]  }
0x56: {  	[spmem:s16] =	stream.linear.scatter [tilespmem:s1], [sflag:$0x2], $0x1000, $0x38;
	[tilespmem:$0x1D880] =	vst v63  }
0x57: {  	s17 =	rddreg [dreg:$0xf]  }
0x58: {  	[spmem:s17] =	stream.linear.scatter [tilespmem:s0], [sflag:$0x2], $0x80, $0x38;
	[tilespmem:$0x1D880] =	vst v63  }
0x59: {  	s19 =	rddreg [dreg:$0x10]  }
0x5a: {  	[spmem:s19] =	stream.linear.scatter [tilespmem:s1], [sflag:$0x2], $0x1000, $0x38;
	[tilespmem:$0x1D880] =	vst v63  }
0x5b: {  	s20 =	rddreg [dreg:$0x13]  }
0x5c: {  	[spmem:s20] =	stream.linear.scatter [tilespmem:s0], [sflag:$0x2], $0x80, $0x38;
	[tilespmem:$0x1D880] =	vst v63  }
0x5d: {  	s21 =	rddreg [dreg:$0x14]  }
0x5e: {  	[spmem:s21] =	stream.linear.scatter [tilespmem:s1], [sflag:$0x2], $0x1000, $0x38;
	[tilespmem:$0x1D880] =	vst v63  }
0x5f: {  	s23 =	rddreg [dreg:$0x15]  }
0x60: {  	[spmem:s23] =	stream.linear.scatter [tilespmem:s0], [sflag:$0x2], $0x80, $0x38;
	[tilespmem:$0x1D880] =	vst v63  }
0x61: {  	s24 =	rddreg [dreg:$0x16]  }
0x62: {  	[spmem:s24] =	stream.linear.scatter [tilespmem:s1], [sflag:$0x2], $0x1000, $0x38;
	[tilespmem:$0x1D880] =	vst v63  }
0x63: {  	s25 =	rddreg [dreg:$0x17];
	s16 =	simm.s32 $0x0;
	s19 =	simm.s32 $0x0  }
0x64: {  	[spmem:s25] =	stream.linear.scatter [tilespmem:s0], [sflag:$0x2], $0x80, $0x38;
	[tilespmem:$0x1D880] =	vst v63  }
.LBB2_4:
0x65: {  	p1 =	sne.s32 s19, $0x4F0  }
.Ltmp3:
0x66: {  	_ = 	snop;
	(pc) =	sbr.rel @p1 .LBB2_4-.Ltmp3, $4  }
0x67: {  	_ = 	snop  }
0x68: {  	s21 =	sadd.s32 s19, s26  }
0x69: {  	[tilespmem:s16], [sflag:$0x1] =	stream.linear.gather [hbm4b:s21+s4], $0x80, $0x38;
	[tilespmem:$0x1D880] =	vst v63  }
0x6a: {  	s19 =	sadd.s32 $0x10, s19;
	s16 =	sadd.s32 $0x80, s16  }
0x6b: {  	p1 =	sne.s32 s7, $0x1  }
.Ltmp4:
0x6c: {  	_ = 	snop;
	(pc) =	sbr.rel @!p1 .LBB2_7-.Ltmp4, $3  }
0x6d: {  	_ =	sdelay $0x1  }
0x6e: {  	s16 =	simm.s32 $0x2800;
	s19 =	sadd.s32 $0xFFFFFFFF, s7;
	s21 =	smov.u32 s28  }
0x6f: {  	[tilespmem:s16], [sflag:$0x1] =	stream.linear.gather [hbm4b:s28+s4], $0x80, $0x38;
	[tilespmem:$0x1D880] =	vst v63  }
.LBB2_6:
0x70: {  	p2 =	sne.s32 s19, $0x1  }
.Ltmp5:
0x71: {  	_ = 	snop;
	(pc) =	sbr.rel @p2 .LBB2_6-.Ltmp5, $4  }
0x72: {  	_ = 	snop  }
0x73: {  	s21 =	sadd.s32 $0x10, s21;
	s16 =	sadd.s32 $0x80, s16  }
0x74: {  	s19 =	sadd.s32 $0xFFFFFFFF, s19  }
0x75: {  	[tilespmem:s16], [sflag:$0x1] =	stream.linear.gather [hbm4b:s21+s4], $0x80, $0x38;
	[tilespmem:$0x1D880] =	vst v63  }
.LBB2_7:
0x76: {  	s9 =	rddreg [dreg:$0x8];
	s16 =	simm.s32 $0xE600  }
0x77: {  	[tilespmem:s16], [sflag:$0x3] =	stream.linear.gather [hbm4b:s9+s4], $0x5000, $0x38;
	[tilespmem:$0x1D880] =	vst v63  }
0x78: {  	_ =	swait.ge [sflag:s8], $0x1000  }
0x79: {  	[sflag:s8] =	ssyncset.done $0x0  }
0x7a: {  	[sflag:s8] =	ssyncadd.s32 $0xFFFFF000  }
0x7b: {  	_ =	swait.ge [sflag:s8], $0x80  }
0x7c: {  	[sflag:s8] =	ssyncset.done $0x0  }
0x7d: {  	[sflag:s8] =	ssyncadd.s32 $0xFFFFFF80  }
0x7e: {  	_ =	swait.ge [sflag:s8], $0x1000  }
0x7f: {  	[sflag:s8] =	ssyncset.done $0x0  }
0x80: {  	[sflag:s8] =	ssyncadd.s32 $0xFFFFF000  }
0x81: {  	_ =	swait.ge [sflag:s8], $0x80  }
0x82: {  	[sflag:s8] =	ssyncset.done $0x0  }
0x83: {  	[sflag:s8] =	ssyncadd.s32 $0xFFFFFF80  }
0x84: {  	_ =	swait.ge [sflag:s8], $0x1000  }
0x85: {  	[sflag:s8] =	ssyncset.done $0x0  }
0x86: {  	[sflag:s8] =	ssyncadd.s32 $0xFFFFF000  }
0x87: {  	_ =	swait.ge [sflag:s8], $0x80  }
0x88: {  	[sflag:s8] =	ssyncset.done $0x0  }
0x89: {  	[sflag:s8] =	ssyncadd.s32 $0xFFFFFF80  }
0x8a: {  	_ =	swait.ge [sflag:s8], $0x1000  }
0x8b: {  	[sflag:s8] =	ssyncset.done $0x0  }
0x8c: {  	[sflag:s8] =	ssyncadd.s32 $0xFFFFF000  }
0x8d: {  	_ =	swait.ge [sflag:s8], $0x80  }
0x8e: {  	[sflag:s8] =	ssyncset.done $0x0  }
0x8f: {  	[sflag:s8] =	ssyncadd.s32 $0xFFFFFF80  }
0x90: {  	_ =	swait.ge [sflag:s8], $0x1000  }
0x91: {  	[sflag:s8] =	ssyncset.done $0x0  }
0x92: {  	p2 =	sne.s32 s29, $0x1;
	[sflag:s8] =	ssyncadd.s32 $0xFFFFF000  }
.Ltmp6:
0x93: {  	_ =	swait.ge [sflag:s8], $0x80;
	(pc) =	sbr.rel @!p2 .LBB2_9-.Ltmp6, $4  }
0x94: {  	[sflag:s8] =	ssyncset.done $0x0  }
0x95: {  	[sflag:s8] =	ssyncadd.s32 $0xFFFFFF80  }
0x96: {  	_ =	swait.ge [sflag:s10], $0x80  }
0x97: {  	s16 =	sadd.s32 $0xFFFFFFFF, s29;
	[sflag:s10] =	ssyncset.done $0x0  }
.LBB2_8:
0x98: {  	p3 =	sne.s32 s16, $0x1;
	s16 =	sadd.s32 $0xFFFFFFFF, s16;
	[sflag:s10] =	ssyncadd.s32 $0xFFFFFF80  }
.Ltmp7:
0x99: {  	(pc) =	sbr.rel @p3 .LBB2_8-.Ltmp7, $3  }
0x9a: {  	_ =	sdelay $0x1  }
0x9b: {  	_ =	swait.ge [sflag:s10], $0x80  }
0x9c: {  	[sflag:s10] =	ssyncset.done $0x0  }
.LBB2_9:
0x9d: {  	[sflag:s10] =	ssyncadd.s32 $0xFFFFFF80  }
0x9e: {  	s16 =	simm.s32 $0x0;
	[bflag:$0x0] =	sbarrier.arrive $0xFFFF  }
.LBB2_10:
0x9f: {  	p3 =	sne.s32 s16, $0x9E00  }
.Ltmp8:
0xa0: {  	_ = 	snop;
	(pc) =	sbr.rel @p3 .LBB2_10-.Ltmp8, $3  }
0xa1: {  	_ =	sdelay $0x1  }
0xa2: {  	s19 =	sshra.s32 s16, $0x2;
	s16 =	sadd.s32 $0x200, s16  }
0xa3: {  	[spmem:s3] =	stream.indirect.scatter.add.f32 [tilespmem:s13], [sflag:$0x2], $0x1, s19, s12, $0xb8;
	[tilespmem:$0x1D880] =	vst v63  }
.Ltmp9:
0xa4: {  	(pc) =	sbr.rel @!p1 .LBB2_13-.Ltmp9, $3  }
0xa5: {  	_ =	sdelay $0x1  }
0xa6: {  	s16 =	simm.s32 $0x2800;
	s19 =	sadd.s32 $0xFFFFFFFF, s7  }
0xa7: {  	[spmem:s3] =	stream.indirect.scatter.add.f32 [tilespmem:s13], [sflag:$0x2], $0x1, s16, s12, $0xb8;
	[tilespmem:$0x1D880] =	vst v63  }
.LBB2_12:
0xa8: {  	p1 =	sne.s32 s19, $0x1  }
.Ltmp10:
0xa9: {  	_ = 	snop;
	(pc) =	sbr.rel @p1 .LBB2_12-.Ltmp10, $3  }
0xaa: {  	_ = 	snop  }
0xab: {  	s19 =	sadd.s32 $0xFFFFFFFF, s19;
	s16 =	sadd.s32 $0x80, s16;
	_ =	sdelay $0x1  }
0xac: {  	[spmem:s3] =	stream.indirect.scatter.add.f32 [tilespmem:s13], [sflag:$0x2], $0x1, s16, s12, $0xb8;
	[tilespmem:$0x1D880] =	vst v63  }
.LBB2_13:
.Ltmp11:
0xad: {  	(pc) =	sbr.rel @!p2 .LBB2_15-.Ltmp11, $3  }
0xae: {  	_ =	sdelay $0x1  }
0xaf: {  	_ =	swait.ge [sflag:s8], $0x80  }
0xb0: {  	s16 =	sadd.s32 $0xFFFFFFFF, s29;
	[sflag:s8] =	ssyncset.done $0x0  }
.LBB2_14:
0xb1: {  	p1 =	sne.s32 s16, $0x1;
	s16 =	sadd.s32 $0xFFFFFFFF, s16;
	[sflag:s8] =	ssyncadd.s32 $0xFFFFFF80  }
.Ltmp12:
0xb2: {  	(pc) =	sbr.rel @p1 .LBB2_14-.Ltmp12, $3  }
0xb3: {  	_ =	sdelay $0x1  }
0xb4: {  	_ =	swait.ge [sflag:s8], $0x80  }
0xb5: {  	[sflag:s8] =	ssyncset.done $0x0  }
.LBB2_15:
0xb6: {  	[sflag:s8] =	ssyncadd.s32 $0xFFFFFF80  }
0xb7: {  	s9 =	simm.s32 $0xE100;
	[bflag:$0x0] =	sbarrier.arrive $0xFFFF  }
0xb8: {  	[tilespmem:s9], [sflag:$0x4] =	stream.linear.gather [spmem:s22], $0x280, $0x38;
	[tilespmem:$0x1D880] =	vst v63  }
0xb9: {  	_ =	swait.ge [sflag:s5], $0x280  }
0xba: {  	[sflag:s5] =	ssyncset.done $0x0  }
0xbb: {  	s20 =	smov.u32 s22;
	s22 =	simm.s32 $0x0;
	[sflag:s5] =	ssyncadd.s32 $0xFFFFFD80  }
0xbc: {  	v2 =	vld [tilespmem:s22+$0xE100];
	_ =	sdelay $0x4  }
0xbd: {  	s21 =	simm.s32 $0x10;
	v2 =	vadd.f32 $1.000000000e+00, v2  }
0xbe: {  	v3 =	vld [tilespmem:s21+$0xE100]  }
0xbf: {  	v4 =	vshrl.u32 v2, $0x1;
	v5 =	vmul.f32 $5.000000000e-01, v2  }
0xc0: {  	v2 =	vsub.s32 $0x5F3759DF, v4  }
0xc1: {  	v4 =	vmul.f32 v2, v5  }
0xc2: {  	s19 =	simm.s32 $0x20  }
0xc3: {  	v6 =	vld [tilespmem:s19+$0xE100];
	v3 =	vadd.f32 $1.000000000e+00, v3;
	v4 =	vmul.f32 v2, v4;
	_ =	sdelay $0x1  }
0xc4: {  	v7 =	vshrl.u32 v3, $0x1;
	v9 =	vmul.f32 $5.000000000e-01, v3;
	v3 =	vsub.f32 $1.500000000e+00, v4  }
0xc5: {  	v4 =	vsub.s32 $0x5F3759DF, v7  }
0xc6: {  	v7 =	vmul.f32 v4, v9;
	v3 =	vmul.f32 v2, v3  }
0xc7: {  	s23 =	simm.s32 $0x30;
	v2 =	vadd.f32 $1.000000000e+00, v6  }
0xc8: {  	v6 =	vld [tilespmem:s23+$0xE100];
	v7 =	vmul.f32 v4, v7;
	v8 =	vmul.f32 v3, v5  }
0xc9: {  	v10 =	vshrl.u32 v2, $0x1;
	v2 =	vmul.f32 $5.000000000e-01, v2  }
0xca: {  	v7 =	vsub.f32 $1.500000000e+00, v7;
	v10 =	vsub.s32 $0x5F3759DF, v10;
	v8 =	vmul.f32 v8, v3  }
0xcb: {  	v11 =	vmul.f32 v10, v2  }
0xcc: {  	v4 =	vmul.f32 v4, v7;
	v7 =	vsub.f32 $1.500000000e+00, v8  }
0xcd: {  	v6 =	vadd.f32 $1.000000000e+00, v6;
	v11 =	vmul.f32 v10, v11  }
0xce: {  	s24 =	simm.s32 $0x40;
	v12 =	vmul.f32 v4, v9;
	v7 =	vmul.f32 v7, v3  }
0xcf: {  	v8 =	vld [tilespmem:s24+$0xE100];
	v13 =	vshrl.u32 v6, $0x1;
	v3 =	vmul.f32 $5.000000000e-01, v6;
	v6 =	vsub.f32 $1.500000000e+00, v11  }
0xd0: {  	v14 =	vsub.s32 $0x5F3759DF, v13;
	v11 =	vmul.f32 v12, v4;
	v5 =	vmul.f32 v7, v5  }
0xd1: {  	v12 =	vmul.f32 v14, v3;
	v6 =	vmul.f32 v10, v6  }
0xd2: {  	v10 =	vsub.f32 $1.500000000e+00, v11;
	v5 =	vmul.f32 v5, v7  }
0xd3: {  	v11 =	vmul.f32 v14, v12;
	v12 =	vmul.f32 v6, v2  }
0xd4: {  	s25 =	simm.s32 $0x50;
	v8 =	vadd.f32 $1.000000000e+00, v8;
	v4 =	vmul.f32 v10, v4  }
0xd5: {  	v15 =	vsub.f32 $1.500000000e+00, v5;
	v16 =	vsub.f32 $1.500000000e+00, v11;
	v11 =	vmul.f32 v12, v6;
	v12 =	vld [tilespmem:s25+$0xE100]  }
0xd6: {  	v13 =	vshrl.u32 v8, $0x1;
	v5 =	vmul.f32 $5.000000000e-01, v8  }
0xd7: {  	v8 =	vsub.s32 $0x5F3759DF, v13;
	v10 =	vmul.f32 v4, v9;
	v7 =	vmul.f32 v15, v7  }
0xd8: {  	s16 =	simm.s32 $0x180;
	v13 =	vmul.f32 v8, v5;
	v9 =	vmul.f32 v14, v16  }
.LBB2_16:
0xd9: {  	s17 =	sshra.s32 s16, $0x2  }
0xda: {  	v14 =	vadd.f32 $1.000000000e+00, v12;
	v11 =	vsub.f32 $1.500000000e+00, v11;
	v10 =	vmul.f32 v10, v4;
	[tilespmem:s22+$0xE380] =	vst v7;
	s22 =	smov.u32 s21;
	s21 =	smov.u32 s19;
	p1 =	sne.s32 s16, $0x9C0  }
.Ltmp13:
0xdb: {  	s19 =	smov.u32 s23;
	s23 =	smov.u32 s24;
	v12 =	vld [tilespmem:s17+$0xE100];
	v7 =	vmul.f32 v8, v13;
	v13 =	vmul.f32 v9, v3;
	(pc) =	sbr.rel @p1 .LBB2_16-.Ltmp13, $4  }
0xdc: {  	s16 =	sadd.s32 $0x40, s16;
	s24 =	smov.u32 s25;
	v15 =	vshrl.u32 v14, $0x1;
	v16 =	vmul.f32 v11, v6;
	v17 =	vsub.f32 $1.500000000e+00, v10;
	v6 =	vmovc v9  }
0xdd: {  	s25 =	smov.u32 s17;
	v14 =	vmul.f32 $5.000000000e-01, v14;
	v9 =	vsub.f32 $1.500000000e+00, v7;
	v11 =	vmul.f32 v13, v6  }
0xde: {  	v15 =	vsub.s32 $0x5F3759DF, v15;
	v10 =	vmul.f32 v16, v2;
	v7 =	vmul.f32 v17, v4;
	v4 =	vmovc v16;
	v2 =	vmovc v3  }
0xdf: {  	v13 =	vmul.f32 v15, v14;
	v3 =	vmovc v5;
	v5 =	vmovc v14;
	v9 =	vmul.f32 v8, v9;
	v8 =	vmov v15  }
0xe0: {  	v12 =	vadd.f32 $1.000000000e+00, v12;
	_ =	sdelay $0x1  }
0xe1: {  	v14 =	vshrl.u32 v12, $0x1;
	v12 =	vmul.f32 $5.000000000e-01, v12  }
0xe2: {  	v14 =	vsub.s32 $0x5F3759DF, v14  }
0xe3: {  	v15 =	vmul.f32 v14, v12  }
0xe4: {  	v13 =	vmul.f32 v8, v13  }
0xe5: {  	v15 =	vmul.f32 v14, v15  }
0xe6: {  	v13 =	vsub.f32 $1.500000000e+00, v13  }
0xe7: {  	v15 =	vsub.f32 $1.500000000e+00, v15  }
0xe8: {  	v56 =	vmul.f32 v8, v13  }
0xe9: {  	v57 =	vmul.f32 v9, v3;
	v14 =	vmul.f32 v14, v15  }
0xea: {  	v58 =	vmul.f32 v56, v5  }
0xeb: {  	v13 =	vmul.f32 v57, v9;
	v16 =	vmul.f32 v14, v12  }
0xec: {  	v11 =	vsub.f32 $1.500000000e+00, v11;
	v15 =	vmul.f32 v58, v56  }
0xed: {  	v13 =	vsub.f32 $1.500000000e+00, v13;
	v16 =	vmul.f32 v16, v14  }
0xee: {  	v6 =	vmul.f32 v11, v6;
	v59 =	vsub.f32 $1.500000000e+00, v15  }
0xef: {  	v10 =	vmul.f32 v10, v4;
	v60 =	vmul.f32 v13, v9;
	v61 =	vsub.f32 $1.500000000e+00, v16  }
0xf0: {  	v2 =	vmul.f32 v6, v2;
	v8 =	vmul.f32 v59, v56  }
0xf1: {  	v3 =	vmul.f32 v60, v3;
	v62 =	vmul.f32 v61, v14  }
0xf2: {  	v2 =	vmul.f32 v2, v6;
	v5 =	vmul.f32 v8, v5  }
0xf3: {  	v10 =	vsub.f32 $1.500000000e+00, v10;
	v3 =	vmul.f32 v3, v60;
	v12 =	vmul.f32 v62, v12  }
0xf4: {  	v2 =	vsub.f32 $1.500000000e+00, v2;
	v5 =	vmul.f32 v5, v8  }
0xf5: {  	v4 =	vmul.f32 v10, v4;
	v3 =	vsub.f32 $1.500000000e+00, v3;
	v63 =	vmul.f32 v12, v62  }
0xf6: {  	[tilespmem:s22+$0xE380] =	vst v7;
	v2 =	vmul.f32 v2, v6;
	v5 =	vsub.f32 $1.500000000e+00, v5  }
0xf7: {  	[tilespmem:s21+$0xE380] =	vst v4;
	v3 =	vmul.f32 v3, v60;
	v4 =	vsub.f32 $1.500000000e+00, v63  }
0xf8: {  	[tilespmem:s19+$0xE380] =	vst v2;
	v2 =	vmul.f32 v5, v8  }
0xf9: {  	[tilespmem:s23+$0xE380] =	vst v3;
	v3 =	vmul.f32 v4, v62  }
0xfa: {  	[tilespmem:s24+$0xE380] =	vst v2  }
0xfb: {  	s16 =	simm.s32 @p0 $0x3;
	[tilespmem:s25+$0xE380] =	vst v3  }
0xfc: {  	_ =	swait.ge @p0 [sflag:s16], $0x5000  }
0xfd: {  	s17 =	simm.s32 @!p0 $0xE380;
	[sflag:s16] =	ssyncset.done @p0 $0x0  }
0xfe: {  	s9 =	rddreg [dreg:$0x9];
	[sflag:s16] =	ssyncadd.s32 @p0 $0xFFFFB000;
	s16 =	simm.s32 @!p0 $0x0  }
0xff: {  	[hbm4b:s9+s16] =	stream.linear.scatter @!p0 [tilespmem:s17], [sflag:$0x2], $0x280, $0x38;
	[tilespmem:$0x1D880] =	vst v63  }
0x100: {  	s16 =	simm.s32 @!p0 $0x3  }
0x101: {  	s23 =	simm.s32 $0x0;
	_ =	swait.ge @!p0 [sflag:s16], $0x5000  }
0x102: {  	v2 =	vmov s23;
	[sflag:s16] =	ssyncset.done @!p0 $0x0  }
0x103: {  	s17 =	simm.s32 @!p0 $0x2;
	[sflag:s16] =	ssyncadd.s32 @!p0 $0xFFFFB000  }
0x104: {  	_ =	swait.ge @!p0 [sflag:s17], $0x280  }
0x105: {  	s16 =	simm.s32 $0x0;
	[sflag:s17] =	ssyncset.done @!p0 $0x0  }
0x106: {  	s25 =	simm.s32 $0x0;
	s24 =	sand.u32 $0x10, s16;
	[sflag:s17] =	ssyncadd.s32 @!p0 $0xFFFFFD80  }
0x107: {  	s19 =	sor.u32 s24, s25;
	v2 =	vld.idx.msk [tilespmem:v2+s14+$0x0], $0xffff  }
0x108: {  	v3 =	vld [tilespmem:s19+$0xE600];
	_ =	sdelay $0x1  }
0x109: {  	s22 =	simm.s32 $0x0;
	s21 =	simm.s32 $0x2  }
.LBB2_18:
0x10a: {  	p1 =	sne.s32 s21, $0x4FF;
	v4 =	vmov s22;
	_ =	sdelay $0x1  }
0x10b: {  	v2 =	vmul.f32 v3, v2  }
0x10c: {  	s16 =	sadd.s32 $0x10, s16  }
.Ltmp14:
0x10d: {  	s22 =	sshll.u32 s22, $0x5;
	s17 =	sand.u32 $0x10, s16;
	[tilespmem:s19+$0x5000] =	vst v2;
	(pc) =	sbr.rel @p1 .LBB2_18-.Ltmp14, $3  }
0x10e: {  	s19 =	sor.u32 s17, s22;
	v2 =	vld.idx.msk [tilespmem:v4+s14+$0x0], $0xffff  }
0x10f: {  	v3 =	vld [tilespmem:s19+$0xE600];
	_ =	sdelay $0x1  }
0x110: {  	s22 =	sshrl.u32 s21, $0x1;
	s21 =	sadd.s32 $0x1, s21  }
0x111: {  	v4 =	vmov s22;
	_ =	sdelay $0x1  }
0x112: {  	v2 =	vmul.f32 v3, v2  }
0x113: {  	s16 =	sadd.s32 $0x10, s16  }
0x114: {  	s17 =	sshll.u32 s22, $0x5;
	s16 =	sand.u32 $0x10, s16;
	[tilespmem:s19+$0x5000] =	vst v2  }
0x115: {  	s16 =	sor.u32 s16, s17;
	v2 =	vld.idx.msk [tilespmem:v4+s14+$0x0], $0xffff  }
0x116: {  	v3 =	vld [tilespmem:s16+$0xE600];
	_ =	sdelay $0x4  }
0x117: {  	v2 =	vmul.f32 v3, v2  }
0x118: {  	s9 =	rddreg [dreg:$0x7]  }
.Ltmp15:
0x119: {  	s25 =	sadd.s32 s9, s11;
	s19 =	simm.s32 $0x0;
	[tilespmem:s16+$0x5000] =	vst v2;
	(pc) =	sbr.rel @p0 .LBB2_23-.Ltmp15, $4  }
0x11a: {  	[hbm4b:s25+s19] =	stream.linear.scatter [tilespmem:s15], [sflag:$0x4], $0x5000, $0x38;
	[tilespmem:$0x1D880] =	vst v63  }
0x11b: {  	_ =	swait.ge [sflag:s5], $0x5000  }
0x11c: {  	[sflag:s5] =	ssyncset.done $0x0  }
0x11d: {  	[sflag:s5] =	ssyncadd.s32 $0xFFFFB000  }
0x11e: {  	s16 =	simm.s32 $0x0  }
0x11f: {  	v2 =	vmov s16  }
0x120: {  	s21 =	simm.s32 $0x0  }
0x121: {  	s17 =	sand.u32 $0x10, s19;
	s16 =	sand.u32 $0x3FFFFFE0, s21  }
0x122: {  	s16 =	sor.u32 s17, s16  }
0x123: {  	v3 =	vld [tilespmem:s16+$0x5000]  }
0x124: {  	v2 =	vld.idx.msk [tilespmem:v2+s14+$0x0], $0xffff;
	_ =	sdelay $0x1  }
0x125: {  	s22 =	simm.s32 $0x0  }
0x126: {  	v4 =	vmov s22  }
0x127: {  	s23 =	sand.u32 $0x1FE00, s19  }
0x128: {  	s24 =	sand.u32 $0x70, s19;
	s16 =	sshrl.u32 s23, $0x2;
	v2 =	vmul.f32 v3, v2  }
0x129: {  	s22 =	simm.s32 $0x10;
	s21 =	simm.s32 $0x10;
	s16 =	sor.u32 s24, s16  }
0x12a: {  	s25 =	sand.u32 $0x10, s21;
	s22 =	sand.u32 $0x3FFFFFE0, s22;
	[tilespmem:s16+$0x13600] =	vst v2  }
0x12b: {  	s17 =	sor.u32 s25, s22;
	v2 =	vld.idx.msk [tilespmem:v4+s14+$0x0], $0xffff  }
0x12c: {  	v3 =	vld [tilespmem:s17+$0x5000];
	_ =	sdelay $0x1  }
0x12d: {  	s23 =	simm.s32 $0x1;
	s22 =	simm.s32 $0x3;
	s16 =	simm.s32 $0x2  }
.LBB2_21:
0x12e: {  	p1 =	sne.s32 s22, $0x4FF;
	v4 =	vmov s23;
	s19 =	sadd.s32 $0x40, s19  }
0x12f: {  	s17 =	sand.u32 $0x1FE00, s19  }
0x130: {  	s23 =	sand.u32 $0x70, s21;
	v2 =	vmul.f32 v3, v2;
	s17 =	sshrl.u32 s17, $0x2  }
0x131: {  	s16 =	sshll.u32 s16, $0x4;
	s21 =	sadd.s32 $0x10, s21;
	s17 =	sor.u32 s23, s17  }
.Ltmp16:
0x132: {  	s16 =	sand.u32 $0x3FFFFFE0, s16;
	s23 =	sand.u32 $0x10, s21;
	[tilespmem:s17+$0x13600] =	vst v2;
	(pc) =	sbr.rel @p1 .LBB2_21-.Ltmp16, $3  }
0x133: {  	s17 =	sor.u32 s23, s16;
	s16 =	smov.u32 s22;
	v2 =	vld.idx.msk [tilespmem:v4+s14+$0x0], $0xffff  }
0x134: {  	v3 =	vld [tilespmem:s17+$0x5000];
	_ =	sdelay $0x1  }
0x135: {  	s22 =	sadd.s32 $0x1, s22;
	s23 =	sshrl.u32 s16, $0x1  }
0x136: {  	v4 =	vmov s23;
	s17 =	sadd.s32 $0x40, s19  }
0x137: {  	s19 =	sand.u32 $0x1FE00, s17  }
0x138: {  	s22 =	sand.u32 $0x70, s21;
	v2 =	vmul.f32 v3, v2;
	s19 =	sshrl.u32 s19, $0x2  }
0x139: {  	s16 =	sshll.u32 s16, $0x4;
	s9 =	sadd.s32 $0x10, s21;
	s19 =	sor.u32 s22, s19  }
0x13a: {  	s23 =	sand.u32 $0x10, s9;
	s16 =	sand.u32 $0x3FFFFFE0, s16;
	[tilespmem:s19+$0x13600] =	vst v2  }
0x13b: {  	s16 =	sor.u32 s23, s16;
	v2 =	vld.idx.msk [tilespmem:v4+s14+$0x0], $0xffff  }
0x13c: {  	v3 =	vld [tilespmem:s16+$0x5000];
	_ =	sdelay $0x2  }
0x13d: {  	s24 =	sadd.s32 $0x40, s17  }
0x13e: {  	s16 =	sand.u32 $0x1FE00, s24  }
0x13f: {  	s25 =	sand.u32 $0x70, s9;
	s16 =	sshrl.u32 s16, $0x2;
	v2 =	vmul.f32 v3, v2  }
0x140: {  	s16 =	sor.u32 s25, s16  }
0x141: {  	[tilespmem:s16+$0x13600] =	vst v2  }
.LBB2_23:
0x142: {  	[bflag:$0x0] =	sbarrier.arrive $0xFFFF  }
0x143: {  	s16 =	simm.s32 $0x0;
	s21 =	smov.u32 s6;
	s19 =	rddreg [dreg:$0x11]  }
.LBB2_24:
0x144: {  	p1 =	sne.s32 s21, $0x1  }
.Ltmp17:
0x145: {  	_ = 	snop;
	(pc) =	sbr.rel @p1 .LBB2_24-.Ltmp17, $3  }
0x146: {  	_ =	sdelay $0x1  }
0x147: {  	[tilespmem:s16], [sflag:$0x1] =	stream.linear.gather [hbm4b:s19+s4], $0x80, $0x38;
	[tilespmem:$0x1D880] =	vst v63  }
0x148: {  	s19 =	sadd.s32 $0x10, s19;
	s16 =	sadd.s32 $0x80, s16;
	s21 =	sadd.s32 $0xFFFFFFFF, s21  }
0x149: {  	p1 =	sne.s32 s6, $0x1  }
.Ltmp18:
0x14a: {  	_ = 	snop;
	(pc) =	sbr.rel @!p1 .LBB2_27-.Ltmp18, $3  }
0x14b: {  	_ =	sdelay $0x1  }
0x14c: {  	s16 =	simm.s32 $0x2800;
	s21 =	rddreg [dreg:$0x12];
	s19 =	sadd.s32 $0xFFFFFFFF, s6  }
0x14d: {  	[tilespmem:s16], [sflag:$0x1] =	stream.linear.gather [hbm4b:s21+s4], $0x80, $0x38;
	[tilespmem:$0x1D880] =	vst v63  }
.LBB2_26:
0x14e: {  	p1 =	sne.s32 s19, $0x1  }
.Ltmp19:
0x14f: {  	_ = 	snop;
	(pc) =	sbr.rel @p1 .LBB2_26-.Ltmp19, $4  }
0x150: {  	_ = 	snop  }
0x151: {  	s21 =	sadd.s32 $0x10, s21;
	s16 =	sadd.s32 $0x80, s16  }
0x152: {  	s19 =	sadd.s32 $0xFFFFFFFF, s19  }
0x153: {  	[tilespmem:s16], [sflag:$0x1] =	stream.linear.gather [hbm4b:s21+s4], $0x80, $0x38;
	[tilespmem:$0x1D880] =	vst v63  }
.LBB2_27:
0x154: {  	p1 =	sne.s32 s30, $0x1  }
.Ltmp20:
0x155: {  	_ = 	snop;
	(pc) =	sbr.rel @!p1 .LBB2_29-.Ltmp20, $3  }
0x156: {  	_ =	sdelay $0x1  }
0x157: {  	_ =	swait.ge [sflag:s10], $0x80  }
0x158: {  	s16 =	sadd.s32 $0xFFFFFFFF, s30;
	[sflag:s10] =	ssyncset.done $0x0  }
.LBB2_28:
0x159: {  	p1 =	sne.s32 s16, $0x1;
	s16 =	sadd.s32 $0xFFFFFFFF, s16;
	[sflag:s10] =	ssyncadd.s32 $0xFFFFFF80  }
.Ltmp21:
0x15a: {  	(pc) =	sbr.rel @p1 .LBB2_28-.Ltmp21, $3  }
0x15b: {  	_ =	sdelay $0x1  }
0x15c: {  	_ =	swait.ge [sflag:s10], $0x80  }
0x15d: {  	[sflag:s10] =	ssyncset.done $0x0  }
.LBB2_29:
0x15e: {  	[sflag:s10] =	ssyncadd.s32 $0xFFFFFF80  }
0x15f: {  	[tilespmem:s15], [sflag:$0x1] =	stream.indirect.gather [hbm4b:s11+s12], $0x20, s4, s12, $0xb8;
	[tilespmem:$0x1D880] =	vst v63  }
0x160: {  	s9 =	simm.s32 $0x6000  }
0x161: {  	[tilespmem:s9], [sflag:$0x1] =	stream.indirect.gather [hbm4b:s11+s12], $0x20, s12, s12, $0xb8;
	[tilespmem:$0x1D880] =	vst v63  }
0x162: {  	s16 =	simm.s32 $0x100;
	s19 =	simm.s32 $0x7000  }
0x163: {  	[tilespmem:s19], [sflag:$0x1] =	stream.indirect.gather [hbm4b:s11+s12], $0x20, s16, s12, $0xb8;
	[tilespmem:$0x1D880] =	vst v63  }
0x164: {  	s17 =	simm.s32 $0x8000;
	s24 =	simm.s32 $0x180  }
0x165: {  	[tilespmem:s17], [sflag:$0x1] =	stream.indirect.gather [hbm4b:s11+s12], $0x20, s24, s12, $0xb8;
	[tilespmem:$0x1D880] =	vst v63  }
0x166: {  	s25 =	simm.s32 $0x200;
	s21 =	simm.s32 $0x9000  }
0x167: {  	[tilespmem:s21], [sflag:$0x1] =	stream.indirect.gather [hbm4b:s11+s12], $0x20, s25, s12, $0xb8;
	[tilespmem:$0x1D880] =	vst v63  }
0x168: {  	_ =	swait.ge [sflag:s10], $0x1000  }
0x169: {  	[sflag:s10] =	ssyncset.done $0x0  }
0x16a: {  	s22 =	simm.s32 $0x2800;
	[sflag:s10] =	ssyncadd.s32 $0xFFFFF000  }
0x16b: {  	[spmem:s2] =	stream.indirect.scatter.add.f32 [tilespmem:s15], [sflag:$0x2], $0x20, s22, s12, $0xb8;
	[tilespmem:$0x1D880] =	vst v63  }
0x16c: {  	s23 =	simm.s32 $0x280;
	s24 =	simm.s32 $0xA000  }
0x16d: {  	[tilespmem:s24], [sflag:$0x1] =	stream.indirect.gather [hbm4b:s11+s12], $0x20, s23, s12, $0xb8;
	[tilespmem:$0x1D880] =	vst v63  }
0x16e: {  	_ =	swait.ge [sflag:s10], $0x1000  }
0x16f: {  	[sflag:s10] =	ssyncset.done $0x0  }
0x170: {  	s25 =	simm.s32 $0x2880;
	[sflag:s10] =	ssyncadd.s32 $0xFFFFF000  }
0x171: {  	[spmem:s2] =	stream.indirect.scatter.add.f32 [tilespmem:s9], [sflag:$0x2], $0x20, s25, s12, $0xb8;
	[tilespmem:$0x1D880] =	vst v63  }
0x172: {  	s16 =	simm.s32 $0x300;
	s21 =	simm.s32 $0xB000  }
0x173: {  	[tilespmem:s21], [sflag:$0x1] =	stream.indirect.gather [hbm4b:s11+s12], $0x20, s16, s12, $0xb8;
	[tilespmem:$0x1D880] =	vst v63  }
0x174: {  	_ =	swait.ge [sflag:s10], $0x1000  }
0x175: {  	p2 =	sne.s32 s6, $0x4;
	[sflag:s10] =	ssyncset.done $0x0  }
0x176: {  	p1 =	sle.u32 s31, $0x3;
	s22 =	simm.s32 $0x2900;
	[sflag:s10] =	ssyncadd.s32 $0xFFFFF000  }
0x177: {  	[spmem:s2] =	stream.indirect.scatter.add.f32 [tilespmem:s19], [sflag:$0x2], $0x20, s22, s12, $0xb8;
	[tilespmem:$0x1D880] =	vst v63  }
0x178: {  	s17 =	sand.u32 @!p1 $0x7000, s17;
	s23 =	simm.s32 $0x380;
	s24 =	simm.s32 $0xC000  }
0x179: {  	[tilespmem:s24], [sflag:$0x1] =	stream.indirect.gather [hbm4b:s11+s12], $0x20, s23, s12, $0xb8;
	[tilespmem:$0x1D880] =	vst v63  }
0x17a: {  	s25 =	simm.s32 $0x2980;
	s22 =	simm.s32 $0x3000;
	_ =	swait.ge [sflag:s10], $0x1000  }
0x17b: {  	s21 =	simm.s32 $0x400;
	s23 =	sand.u32 $0x7000, s22;
	[sflag:s10] =	ssyncset.done $0x0  }
.Ltmp22:
0x17c: {  	s23 =	sadd.s32 $0x5000, s23;
	[sflag:s10] =	ssyncadd.s32 $0xFFFFF000;
	(pc) =	sbr.rel @!p2 .LBB2_31-.Ltmp22, $4  }
0x17d: {  	[spmem:s2] =	stream.indirect.scatter.add.f32 [tilespmem:s23], [sflag:$0x2], $0x20, s25, s12, $0xb8;
	[tilespmem:$0x1D880] =	vst v63  }
0x17e: {  	s16 =	simm.s32 $0x9000;
	s19 =	simm.s32 $0x4;
	_ =	swait.ge [sflag:s8], $0x1000  }
0x17f: {  	s22 =	simm.s32 $0x2A00;
	s24 =	sadd.s32 @!p1 $0x5000, s17;
	[sflag:s8] =	ssyncset.done $0x0  }
0x180: {  	s23 =	simm.s32 $0x480;
	s25 =	simm.s32 @!p1 $0x80;
	[sflag:s8] =	ssyncadd.s32 $0xFFFFF000  }
.LBB2_30:
0x181: {  	[tilespmem:s24], [sflag:$0x1] =	stream.indirect.gather @!p1 [hbm4b:s11+s25], $0x20, s21, s25, $0xb8;
	[tilespmem:$0x1D880] =	vst v63  }
0x182: {  	s17 =	smov.u32 s19;
	s24 =	smov.u32 s22;
	s25 =	smov.u32 s16  }
0x183: {  	s19 =	sadd.s32 $0x1, s19;
	s21 =	smov.u32 s23  }
0x184: {  	s9 =	sadd.s32 $0xFFFFB000, s16;
	p2 =	sne.s32 s6, s19;
	_ =	swait.ge [sflag:s10], $0x1000  }
0x185: {  	s22 =	sadd.s32 $0x80, s22;
	s9 =	sand.u32 $0x7000, s9;
	[sflag:s10] =	ssyncset.done $0x0  }
.Ltmp23:
0x186: {  	s9 =	sadd.s32 $0x5000, s9;
	[sflag:s10] =	ssyncadd.s32 $0xFFFFF000;
	(pc) =	sbr.rel @p2 .LBB2_30-.Ltmp23, $4  }
0x187: {  	[spmem:s2] =	stream.indirect.scatter.add.f32 [tilespmem:s9], [sflag:$0x2], $0x20, s24, s12, $0xb8;
	[tilespmem:$0x1D880] =	vst v63  }
0x188: {  	s16 =	sadd.s32 $0x1000, s16;
	p1 =	sge.u32 s17, s31;
	_ =	swait.ge [sflag:s8], $0x1000  }
0x189: {  	s23 =	sadd.s32 $0x80, s23;
	s9 =	sand.u32 @!p1 $0x7000, s25;
	[sflag:s8] =	ssyncset.done $0x0  }
0x18a: {  	s25 =	simm.s32 @!p1 $0x80;
	s24 =	sadd.s32 @!p1 $0x5000, s9;
	[sflag:s8] =	ssyncadd.s32 $0xFFFFF000  }
.LBB2_31:
0x18b: {  	[tilespmem:s24], [sflag:$0x1] =	stream.indirect.gather @!p1 [hbm4b:s11+s25], $0x20, s21, s25, $0xb8;
	[tilespmem:$0x1D880] =	vst v63  }
0x18c: {  	_ =	swait.ge [sflag:s8], $0x1000  }
0x18d: {  	[sflag:s8] =	ssyncset.done $0x0  }
0x18e: {  	[sflag:s8] =	ssyncadd.s32 $0xFFFFF000  }
0x18f: {  	_ =	swait.ge [sflag:s8], $0x1000  }
0x190: {  	[sflag:s8] =	ssyncset.done $0x0  }
0x191: {  	[sflag:s8] =	ssyncadd.s32 $0xFFFFF000  }
0x192: {  	_ =	swait.ge [sflag:s8], $0x1000  }
0x193: {  	[sflag:s8] =	ssyncset.done $0x0  }
0x194: {  	[sflag:s8] =	ssyncadd.s32 $0xFFFFF000  }
0x195: {  	[bflag:$0x0] =	sbarrier.arrive $0xFFFF  }
.Ltmp24:
0x196: {  	s9 =	rddreg [dreg:$0xa];
	(pc) =	sbr.rel @p0 .LBB2_35-.Ltmp24, $4  }
0x197: {  	[tilespmem:s15], [sflag:$0x4] =	stream.linear.gather [spmem:s9], $0x5000, $0x38;
	[tilespmem:$0x1D880] =	vst v63  }
0x198: {  	s19 =	simm.s32 $0x0;
	_ =	swait.ge [sflag:s5], $0x5000  }
0x199: {  	s24 =	simm.s32 $0x0;
	s25 =	simm.s32 $0x0;
	[sflag:s5] =	ssyncset.done $0x0  }
0x19a: {  	v2 =	vmov s24;
	s16 =	sand.u32 $0x10, s19;
	s9 =	sand.u32 $0x3FFFFFE0, s25;
	[sflag:s5] =	ssyncadd.s32 $0xFFFFB000  }
0x19b: {  	_ =	sdelay $0x3  }
0x19c: {  	s17 =	sand.u32 $0x1FE00, s19;
	v2 =	vld.idx.msk [tilespmem:v2+s14+$0x0], $0xffff;
	s9 =	sor.u32 s16, s9  }
0x19d: {  	s21 =	sand.u32 $0x70, s19;
	s17 =	sshrl.u32 s17, $0x2;
	v3 =	vld [tilespmem:s9+$0x5000]  }
0x19e: {  	s22 =	sor.u32 s21, s17  }
0x19f: {  	v4 =	vld [tilespmem:s22+$0x13600]  }
0x1a0: {  	s16 =	simm.s32 $0x1  }
0x1a1: {  	s24 =	simm.s32 $0x0;
	s23 =	simm.s32 $0x2;
	s21 =	simm.s32 $0x0  }
.LBB2_33:
0x1a2: {  	p1 =	seq.s32 s23, $0x4FF;
	v5 =	vmov s24;
	v2 =	vmul.f32 v3, v2;
	_ =	sdelay $0x1  }
0x1a3: {  	v2 =	vadd.f32 v4, v2  }
0x1a4: {  	s9 =	sshll.u32 s16, $0x4;
	s19 =	sadd.s32 $0x10, s19;
	s16 =	smov.u32 s23  }
0x1a5: {  	s21 =	sadd.s32 $0x40, s21;
	s17 =	sand.u32 $0x10, s19;
	s9 =	sand.u32 $0x3FFFFFE0, s9;
	[tilespmem:s22+$0x13600] =	vst v2  }
0x1a6: {  	s9 =	sor.u32 s17, s9;
	s17 =	sand.u32 $0x1FE00, s21;
	v2 =	vld.idx.msk [tilespmem:v5+s14+$0x0], $0xffff  }
.Ltmp25:
0x1a7: {  	s17 =	sshrl.u32 s17, $0x2;
	v3 =	vld [tilespmem:s9+$0x5000];
	s9 =	sand.u32 $0x70, s19;
	(pc) =	sbr.rel @!p1 .LBB2_33-.Ltmp25, $3  }
0x1a8: {  	s22 =	sor.u32 s9, s17  }
0x1a9: {  	v4 =	vld [tilespmem:s22+$0x13600];
	_ =	sdelay $0x1  }
0x1aa: {  	s23 =	sadd.s32 $0x1, s23;
	s24 =	sshrl.u32 s16, $0x1  }
0x1ab: {  	v5 =	vmov s24;
	v2 =	vmul.f32 v3, v2;
	_ =	sdelay $0x1  }
0x1ac: {  	v2 =	vadd.f32 v4, v2  }
0x1ad: {  	s9 =	sshll.u32 s16, $0x4;
	s25 =	sadd.s32 $0x10, s19  }
0x1ae: {  	s17 =	sand.u32 $0x10, s25;
	s9 =	sand.u32 $0x3FFFFFE0, s9;
	[tilespmem:s22+$0x13600] =	vst v2;
	s22 =	sadd.s32 $0x40, s21  }
0x1af: {  	s9 =	sor.u32 s17, s9;
	v2 =	vld.idx.msk [tilespmem:v5+s14+$0x0], $0xffff;
	s23 =	sand.u32 $0x1FE00, s22  }
0x1b0: {  	s24 =	sand.u32 $0x70, s25;
	v3 =	vld [tilespmem:s9+$0x5000];
	s25 =	sshrl.u32 s23, $0x2  }
0x1b1: {  	s9 =	sor.u32 s24, s25  }
0x1b2: {  	v63 =	vld [tilespmem:s9+$0x13600];
	_ =	sdelay $0x2  }
.Ltmp26:
0x1b3: {  	v2 =	vmul.f32 v3, v2;
	(pc) =	sbr.rel .LBB2_38-.Ltmp26, $3  }
0x1b4: {  	_ = 	snop  }
0x1b5: {  	v2 =	vadd.f32 v63, v2;
	_ =	sdelay $0x1  }
0x1b6: {  	[tilespmem:s9+$0x13600] =	vst v2  }
.LBB2_35:
0x1b7: {  	_ =	sdelay $0x3  }
0x1b8: {  	v2 =	vld.idx.msk [tilespmem:v2+s14+$0x0], $0xffff;
	s9 =	sor.u32 s16, s9  }
0x1b9: {  	v3 =	vld [tilespmem:s9+$0x5000];
	_ =	sdelay $0x1  }
0x1ba: {  	s21 =	simm.s32 $0x0  }
0x1bb: {  	v4 =	vmov s21  }
0x1bc: {  	s22 =	sand.u32 $0x1FE00, s19  }
0x1bd: {  	s23 =	sand.u32 $0x70, s19;
	s9 =	sshrl.u32 s22, $0x2;
	v2 =	vmul.f32 v3, v2  }
0x1be: {  	s17 =	simm.s32 $0x10;
	s21 =	simm.s32 $0x10;
	s9 =	sor.u32 s23, s9  }
0x1bf: {  	s17 =	sand.u32 $0x3FFFFFE0, s17;
	s24 =	sand.u32 $0x10, s21;
	[tilespmem:s9+$0x13600] =	vst v2  }
0x1c0: {  	s25 =	sor.u32 s24, s17;
	v2 =	vld.idx.msk [tilespmem:v4+s14+$0x0], $0xffff  }
0x1c1: {  	v3 =	vld [tilespmem:s25+$0x5000];
	_ =	sdelay $0x1  }
0x1c2: {  	s16 =	simm.s32 $0x2;
	s22 =	simm.s32 $0x3;
	s23 =	simm.s32 $0x1  }
.LBB2_36:
0x1c3: {  	p1 =	sne.s32 s22, $0x4FF;
	v4 =	vmov s23;
	s19 =	sadd.s32 $0x40, s19  }
0x1c4: {  	s9 =	sand.u32 $0x1FE00, s19  }
0x1c5: {  	v2 =	vmul.f32 v3, v2;
	s17 =	sand.u32 $0x70, s21;
	s9 =	sshrl.u32 s9, $0x2  }
0x1c6: {  	s16 =	sshll.u32 s16, $0x4;
	s21 =	sadd.s32 $0x10, s21;
	s9 =	sor.u32 s17, s9  }
.Ltmp27:
0x1c7: {  	s16 =	sand.u32 $0x3FFFFFE0, s16;
	s17 =	sand.u32 $0x10, s21;
	[tilespmem:s9+$0x13600] =	vst v2;
	(pc) =	sbr.rel @p1 .LBB2_36-.Ltmp27, $3  }
0x1c8: {  	s9 =	sor.u32 s17, s16;
	s16 =	smov.u32 s22;
	v2 =	vld.idx.msk [tilespmem:v4+s14+$0x0], $0xffff  }
0x1c9: {  	v3 =	vld [tilespmem:s9+$0x5000];
	_ =	sdelay $0x1  }
0x1ca: {  	s22 =	sadd.s32 $0x1, s22;
	s23 =	sshrl.u32 s16, $0x1  }
.Ltmp28:
0x1cb: {  	_ = 	snop;
	(pc) =	sbr.rel .LBB2_37-.Ltmp28, $1  }
0x1cc: {  	_ =	sdelay $0x3  }
.LBB2_39:
0x1cd: {  	_ =	sfence.sel $0x180000  }
0x1ce: {  	[bflag:$0x0] =	sbarrier.arrive $0xFFFF  }
0x1cf: {  	_ =	strace $0x90000047  }
0x1d0: {  	s0 =	stileid.u32;
	[bflag:$0x2] =	sbarrier.arrive $0xFFFF  }
0x1d1: {  	p0 =	sne.s32 s0, $0x0;
	s0 =	rddreg [dreg:$0x6]  }
0x1d2: {  	s0 =	sadd.s32 @!p0 $0x100000, s0  }
0x1d3: {  	[sflag:s0] =	ssyncadd.tile.s32 @!p0 $0x1;
	_ =	shalt  }
.Lfunc_end2:
_tile_overlayer_lowered:
.L_overlay_start_2:
0x1d4: {  	(tag) =	ssettag $0x2  }
0x1d5: {  	s0 =	rddreg [dreg:$0x0];
	s2 =	stileid.u32  }
0x1d6: {  	s1 =	rddreg [dreg:$0x1];
	p0 =	sne.s32 s2, $0x0  }
0x1d7: {  	s3 =	rddreg [dreg:$0x2];
	[bflag:$0x3] =	sbarrier.arrive $0xFFFF;
	s2 =	simm.s32 @!p0 $0x1C04  }
0x1d8: {  	[timem:s3], [sflag:s2] =	dma.local @!p0 [hbm:s0], s1  }
0x1d9: {  	s0 =	simm.s32 @!p0 $0x4  }
0x1da: {  	_ =	swait.ge @!p0 [sflag:s0], s1  }
0x1db: {  	s1 =	ssub.s32 @!p0 $0x0, s1;
	[sflag:s0] =	ssyncset.done @!p0 $0x0  }
0x1dc: {  	[sflag:s0] =	ssyncadd.s32 @!p0 s1  }
0x1dd: {  	[bflag:$0x3] =	sbarrier.arrive $0xFFFF  }
0x1de: {  	_ =	shalt  }

</sc_bundles>
